<compile_context>
chip_gen: v7x
topology: tpu7x:2x2x1
jax: 0.10.2.dev20260603
libtpu: 0.0.44.dev20260713+nightly
codegen_flags: <defaults>
</compile_context>

<pallas_src>
import functools

import jax
import jax.numpy as jnp
from jax import lax
from jax.experimental import pallas as pl
from jax.experimental.pallas import tpu as pltpu
from jax.experimental.pallas import tpu_sc as plsc

B, S, D = 4096, 50, 128
NC, NS = 2, 16
NW = NC * NS
BW = B // NW
CW = 64
CPP = BW // CW
NCH = S * CPP
NB = 4
SLACK = 2


def _make_emb_kernel():
    mesh = plsc.VectorSubcoreMesh(core_axis_name="c", subcore_axis_name="s")

    @functools.partial(
        pl.kernel,
        mesh=mesh,
        out_type=jax.ShapeDtypeStruct((S, B, D), jnp.float32),
        scratch_types=(
            [pltpu.VMEM((S, BW), jnp.int32)]
            + [pltpu.VMEM((CW, D), jnp.float32) for _ in range(NB)]
            + [pltpu.SemaphoreType.DMA for _ in range(2 * NB)]
        ),
    )
    def emb(idx_hbm, table_hbm, out_hbm, idx_v, *rest):
        bufs = rest[:NB]
        gsem = rest[NB:2 * NB]
        ssem = rest[2 * NB:]
        wid = lax.axis_index("s") * NC + lax.axis_index("c")
        b0 = wid * BW
        pltpu.sync_copy(idx_hbm.at[:, pl.ds(b0, BW)], idx_v)

        def gather_copy(j, b):
            return pltpu.make_async_copy(
                table_hbm.at[idx_v.at[j // CPP, pl.ds((j % CPP) * CW, CW)]],
                bufs[b], gsem[b])

        def store_copy(j, b):
            return pltpu.make_async_copy(
                bufs[b], out_hbm.at[j // CPP, pl.ds(b0 + (j % CPP) * CW, CW)],
                ssem[b])

        def step(j, i, mid):
            gather_copy(j, i).wait()
            store_copy(j, i).start()
            if mid:
                bp = (i - SLACK) % NB
                store_copy(j - SLACK, bp).wait()
                gather_copy(j + NB - SLACK, bp).start()

        for jj in range(NB):
            gather_copy(jj, jj).start()
        for i in range(NB):
            step(i, i, i >= SLACK)

        def group(g, c):
            j0 = g * NB
            for i in range(NB):
                step(j0 + i, i, True)
            return c

        lax.fori_loop(1, NCH // NB - 1, group, 0)

        j0 = NCH - NB
        for i in range(NB):
            step(j0 + i, i, i < SLACK)
        for i in range(NB):
            store_copy(j0 + i, i).wait()

    return emb


_emb = _make_emb_kernel()


def kernel(input_ids, table):
    idx_t = input_ids.astype(jnp.int32).T
    out_t = _emb(idx_t, table)
    return out_t.transpose(1, 0, 2)

# --- scband reference (transcript-rebuilt; emitter-appended) ---
"""Pipeline reference for scband-token-embedding-41497974014005 (READ-ONLY COPY).

The authoritative reference and input builder live on the scoring server;
editing this copy changes nothing except your own understanding.
"""

import jax, jax.numpy as jnp
import numpy as np

VOCAB_SIZE = 100000
EMBED_DIM = 128
PADDING_IDX = 0

def setup_inputs(seed: int = 0) -> dict:
    key = jax.random.key(seed)
    k_idx, k_tab = jax.random.split(key)
    input_ids = jax.random.randint(k_idx, (4096, 50), 0, VOCAB_SIZE, dtype=jnp.int64 if jax.config.read('jax_enable_x64') else jnp.int32)
    # nn.Embedding default init: N(0, 1); padding row zeroed
    table = jax.random.normal(k_tab, (VOCAB_SIZE, EMBED_DIM), dtype=jnp.float32)
    table = table.at[PADDING_IDX].set(0.0)
    return {"input_ids": input_ids, "table": table}

def reference(input_ids, table):
    # Emulate nn.Embedding with padding_idx: padding row is zero
    tab = table.at[PADDING_IDX].set(0.0)
    embedded_tokens = jnp.take(tab, input_ids, axis=0)
    return embedded_tokens

if __name__ == "__main__":
    import jax
    _d = setup_inputs()
    print(jax.jit(kernel)(*tuple(_d.values())))

</pallas_src>

<mosaic_0001>
#map = affine_map<(d0, d1) -> (0, 0)>
#map1 = affine_map<(d0, d1) -> (0, 0, 0)>
module attributes {stable_mosaic.version = 14 : i64} {
  func.func @emb(%arg0: i32, %arg1: i32, %arg2: memref<50x4096xi32, #tpu.memory_space<hbm>>, %arg3: memref<100000x128xf32, #tpu.memory_space<hbm>>, %arg4: memref<50x4096x128xf32, #tpu.memory_space<hbm>>, %arg5: memref<50x128xi32, #tpu.memory_space<vmem>>, %arg6: memref<64x128xf32, #tpu.memory_space<vmem>>, %arg7: memref<64x128xf32, #tpu.memory_space<vmem>>, %arg8: memref<64x128xf32, #tpu.memory_space<vmem>>, %arg9: memref<64x128xf32, #tpu.memory_space<vmem>>, %arg10: memref<!tpu.dma_semaphore, #tpu.memory_space<semaphore_mem>>, %arg11: memref<!tpu.dma_semaphore, #tpu.memory_space<semaphore_mem>>, %arg12: memref<!tpu.dma_semaphore, #tpu.memory_space<semaphore_mem>>, %arg13: memref<!tpu.dma_semaphore, #tpu.memory_space<semaphore_mem>>, %arg14: memref<!tpu.dma_semaphore, #tpu.memory_space<semaphore_mem>>, %arg15: memref<!tpu.dma_semaphore, #tpu.memory_space<semaphore_mem>>, %arg16: memref<!tpu.dma_semaphore, #tpu.memory_space<semaphore_mem>>, %arg17: memref<!tpu.dma_semaphore, #tpu.memory_space<semaphore_mem>>) attributes {dimension_semantics = [#tpu.dimension_semantics<core_parallel>, #tpu.dimension_semantics<subcore_parallel>], iteration_bounds = array<i64: 2, 16>, scalar_prefetch = 0 : i64, scratch_operands = 13 : i64, tpu.core_type = #tpu.core_type<sc_vector_subcore>, window_params = [{transform_indices = #map}, {transform_indices = #map}, {transform_indices = #map1}]} {
    %mul3A = arith.constant 2 : i32
    %mul3A_0 = arith.muli %arg1, %mul3A : i32
    %add3A = arith.addi %mul3A_0, %arg0 : i32
    %mul3A_1 = arith.constant 128 : i32
    %mul3A_2 = arith.muli %add3A, %mul3A_1 : i32
    "tpu.region"() ({
      %run_scoped3A = tpu.sem_alloc : memref<!tpu.dma_semaphore, #tpu.memory_space<semaphore_mem>>
      %dma_start3A_262 = arith.constant 0 : i32
      %dma_start3A_263 = tpu.memref_slice %arg2[%dma_start3A_262, %mul3A_2] : memref<50x4096xi32, #tpu.memory_space<hbm>> -> memref<50x128xi32, #tpu.memory_space<hbm>>
      %dma_start3A_264 = arith.constant 0 : i32
      %dma_start3A_265 = tpu.memref_slice %arg2[%dma_start3A_264, %mul3A_2] : memref<50x4096xi32, #tpu.memory_space<hbm>> -> memref<50x128xi32, #tpu.memory_space<hbm>>
      tpu.enqueue_dma source(%dma_start3A_265 : memref<50x128xi32, #tpu.memory_space<hbm>>) target(%arg5 : memref<50x128xi32, #tpu.memory_space<vmem>>) target_semaphore(%run_scoped3A : memref<!tpu.dma_semaphore, #tpu.memory_space<semaphore_mem>>)
      %dma_wait3A_266 = arith.constant 0 : i32
      %dma_wait3A_267 = tpu.memref_slice %arg2[%dma_wait3A_266, %mul3A_2] : memref<50x4096xi32, #tpu.memory_space<hbm>> -> memref<50x128xi32, #tpu.memory_space<hbm>>
      %dma_wait3A_268 = arith.constant 0 : i32
      %dma_wait3A_269 = tpu.memref_slice %arg2[%dma_wait3A_268, %mul3A_2] : memref<50x4096xi32, #tpu.memory_space<hbm>> -> memref<50x128xi32, #tpu.memory_space<hbm>>
      tpu.wait_dma2 semaphore(%run_scoped3A : memref<!tpu.dma_semaphore, #tpu.memory_space<semaphore_mem>>) src(%dma_wait3A_269 : memref<50x128xi32, #tpu.memory_space<hbm>>) dst(%arg5 : memref<50x128xi32, #tpu.memory_space<vmem>>)
      tpu.yield
    }) : () -> ()
    %dma_start3A = arith.constant 0 : i32
    %dma_start3A_3 = arith.constant 0 : i32
    %dma_start3A_4 = tpu.memref_slice %arg5[%dma_start3A, %dma_start3A_3] : memref<50x128xi32, #tpu.memory_space<vmem>> -> memref<1x64xi32, #tpu.memory_space<vmem>>
    %dma_start3A_5 = tpu.memref_squeeze %dma_start3A_4 : memref<1x64xi32, #tpu.memory_space<vmem>> -> memref<64xi32, #tpu.memory_space<vmem>>
    %dma_start3A_6 = arith.constant 0 : i32
    %dma_start3A_7 = arith.constant 0 : i32
    %dma_start3A_8 = tpu.memref_slice %arg3[%dma_start3A_6, %dma_start3A_7] : memref<100000x128xf32, #tpu.memory_space<hbm>> -> memref<100000x128xf32, #tpu.memory_space<hbm>>
    tpu.enqueue_indirect_dma source(%dma_start3A_8 : memref<100000x128xf32, #tpu.memory_space<hbm>>) target(%arg6 : memref<64x128xf32, #tpu.memory_space<vmem>>) offsets(%dma_start3A_5 : memref<64xi32, #tpu.memory_space<vmem>>) semaphore(%arg10 : memref<!tpu.dma_semaphore, #tpu.memory_space<semaphore_mem>>)
    %dma_start3A_9 = arith.constant 0 : i32
    %dma_start3A_10 = arith.constant 64 : i32
    %dma_start3A_11 = tpu.memref_slice %arg5[%dma_start3A_9, %dma_start3A_10] : memref<50x128xi32, #tpu.memory_space<vmem>> -> memref<1x64xi32, #tpu.memory_space<vmem>>
    %dma_start3A_12 = tpu.memref_squeeze %dma_start3A_11 : memref<1x64xi32, #tpu.memory_space<vmem>> -> memref<64xi32, #tpu.memory_space<vmem>>
    %dma_start3A_13 = arith.constant 0 : i32
    %dma_start3A_14 = arith.constant 0 : i32
    %dma_start3A_15 = tpu.memref_slice %arg3[%dma_start3A_13, %dma_start3A_14] : memref<100000x128xf32, #tpu.memory_space<hbm>> -> memref<100000x128xf32, #tpu.memory_space<hbm>>
    tpu.enqueue_indirect_dma source(%dma_start3A_15 : memref<100000x128xf32, #tpu.memory_space<hbm>>) target(%arg7 : memref<64x128xf32, #tpu.memory_space<vmem>>) offsets(%dma_start3A_12 : memref<64xi32, #tpu.memory_space<vmem>>) semaphore(%arg11 : memref<!tpu.dma_semaphore, #tpu.memory_space<semaphore_mem>>)
    %dma_start3A_16 = arith.constant 1 : i32
    %dma_start3A_17 = arith.constant 0 : i32
    %dma_start3A_18 = tpu.memref_slice %arg5[%dma_start3A_16, %dma_start3A_17] : memref<50x128xi32, #tpu.memory_space<vmem>> -> memref<1x64xi32, #tpu.memory_space<vmem>>
    %dma_start3A_19 = tpu.memref_squeeze %dma_start3A_18 : memref<1x64xi32, #tpu.memory_space<vmem>> -> memref<64xi32, #tpu.memory_space<vmem>>
    %dma_start3A_20 = arith.constant 0 : i32
    %dma_start3A_21 = arith.constant 0 : i32
    %dma_start3A_22 = tpu.memref_slice %arg3[%dma_start3A_20, %dma_start3A_21] : memref<100000x128xf32, #tpu.memory_space<hbm>> -> memref<100000x128xf32, #tpu.memory_space<hbm>>
    tpu.enqueue_indirect_dma source(%dma_start3A_22 : memref<100000x128xf32, #tpu.memory_space<hbm>>) target(%arg8 : memref<64x128xf32, #tpu.memory_space<vmem>>) offsets(%dma_start3A_19 : memref<64xi32, #tpu.memory_space<vmem>>) semaphore(%arg12 : memref<!tpu.dma_semaphore, #tpu.memory_space<semaphore_mem>>)
    %dma_start3A_23 = arith.constant 1 : i32
    %dma_start3A_24 = arith.constant 64 : i32
    %dma_start3A_25 = tpu.memref_slice %arg5[%dma_start3A_23, %dma_start3A_24] : memref<50x128xi32, #tpu.memory_space<vmem>> -> memref<1x64xi32, #tpu.memory_space<vmem>>
    %dma_start3A_26 = tpu.memref_squeeze %dma_start3A_25 : memref<1x64xi32, #tpu.memory_space<vmem>> -> memref<64xi32, #tpu.memory_space<vmem>>
    %dma_start3A_27 = arith.constant 0 : i32
    %dma_start3A_28 = arith.constant 0 : i32
    %dma_start3A_29 = tpu.memref_slice %arg3[%dma_start3A_27, %dma_start3A_28] : memref<100000x128xf32, #tpu.memory_space<hbm>> -> memref<100000x128xf32, #tpu.memory_space<hbm>>
    tpu.enqueue_indirect_dma source(%dma_start3A_29 : memref<100000x128xf32, #tpu.memory_space<hbm>>) target(%arg9 : memref<64x128xf32, #tpu.memory_space<vmem>>) offsets(%dma_start3A_26 : memref<64xi32, #tpu.memory_space<vmem>>) semaphore(%arg13 : memref<!tpu.dma_semaphore, #tpu.memory_space<semaphore_mem>>)
    %dma_wait3A = arith.constant 0 : i32
    %dma_wait3A_30 = arith.constant 0 : i32
    %dma_wait3A_31 = tpu.memref_slice %arg5[%dma_wait3A, %dma_wait3A_30] : memref<50x128xi32, #tpu.memory_space<vmem>> -> memref<1x64xi32, #tpu.memory_space<vmem>>
    %dma_wait3A_32 = tpu.memref_squeeze %dma_wait3A_31 : memref<1x64xi32, #tpu.memory_space<vmem>> -> memref<64xi32, #tpu.memory_space<vmem>>
    %dma_wait3A_33 = arith.constant 0 : i32
    %dma_wait3A_34 = arith.constant 0 : i32
    %dma_wait3A_35 = tpu.memref_slice %arg3[%dma_wait3A_33, %dma_wait3A_34] : memref<100000x128xf32, #tpu.memory_space<hbm>> -> memref<100000x128xf32, #tpu.memory_space<hbm>>
    tpu.wait_indirect_dma semaphore(%arg10 : memref<!tpu.dma_semaphore, #tpu.memory_space<semaphore_mem>>) src(%dma_wait3A_35 : memref<100000x128xf32, #tpu.memory_space<hbm>>) dst(%arg6 : memref<64x128xf32, #tpu.memory_space<vmem>>)
    %add3A_36 = arith.constant 0 : i32
    %add3A_37 = arith.addi %mul3A_2, %add3A_36 : i32
    %dma_start3A_38 = arith.constant 0 : i32
    %dma_start3A_39 = arith.constant 0 : i32
    %dma_start3A_40 = tpu.memref_slice %arg4[%dma_start3A_38, %add3A_37, %dma_start3A_39] : memref<50x4096x128xf32, #tpu.memory_space<hbm>> -> memref<1x64x128xf32, #tpu.memory_space<hbm>>
    %dma_start3A_41 = tpu.memref_squeeze %dma_start3A_40 : memref<1x64x128xf32, #tpu.memory_space<hbm>> -> memref<64x128xf32, #tpu.memory_space<hbm>>
    %dma_start3A_42 = arith.constant 0 : i32
    %dma_start3A_43 = tpu.memref_slice %arg4[%dma_start3A_38, %add3A_37, %dma_start3A_42] : memref<50x4096x128xf32, #tpu.memory_space<hbm>> -> memref<1x64x128xf32, #tpu.memory_space<hbm>>
    %dma_start3A_44 = tpu.memref_squeeze %dma_start3A_43 : memref<1x64x128xf32, #tpu.memory_space<hbm>> -> memref<64x128xf32, #tpu.memory_space<hbm>>
    tpu.enqueue_dma source(%arg6 : memref<64x128xf32, #tpu.memory_space<vmem>>) target(%dma_start3A_44 : memref<64x128xf32, #tpu.memory_space<hbm>>) target_semaphore(%arg14 : memref<!tpu.dma_semaphore, #tpu.memory_space<semaphore_mem>>)
    %dma_wait3A_45 = arith.constant 0 : i32
    %dma_wait3A_46 = arith.constant 64 : i32
    %dma_wait3A_47 = tpu.memref_slice %arg5[%dma_wait3A_45, %dma_wait3A_46] : memref<50x128xi32, #tpu.memory_space<vmem>> -> memref<1x64xi32, #tpu.memory_space<vmem>>
    %dma_wait3A_48 = tpu.memref_squeeze %dma_wait3A_47 : memref<1x64xi32, #tpu.memory_space<vmem>> -> memref<64xi32, #tpu.memory_space<vmem>>
    %dma_wait3A_49 = arith.constant 0 : i32
    %dma_wait3A_50 = arith.constant 0 : i32
    %dma_wait3A_51 = tpu.memref_slice %arg3[%dma_wait3A_49, %dma_wait3A_50] : memref<100000x128xf32, #tpu.memory_space<hbm>> -> memref<100000x128xf32, #tpu.memory_space<hbm>>
    tpu.wait_indirect_dma semaphore(%arg11 : memref<!tpu.dma_semaphore, #tpu.memory_space<semaphore_mem>>) src(%dma_wait3A_51 : memref<100000x128xf32, #tpu.memory_space<hbm>>) dst(%arg7 : memref<64x128xf32, #tpu.memory_space<vmem>>)
    %add3A_52 = arith.constant 64 : i32
    %add3A_53 = arith.addi %mul3A_2, %add3A_52 : i32
    %dma_start3A_54 = arith.constant 0 : i32
    %dma_start3A_55 = arith.constant 0 : i32
    %dma_start3A_56 = tpu.memref_slice %arg4[%dma_start3A_54, %add3A_53, %dma_start3A_55] : memref<50x4096x128xf32, #tpu.memory_space<hbm>> -> memref<1x64x128xf32, #tpu.memory_space<hbm>>
    %dma_start3A_57 = tpu.memref_squeeze %dma_start3A_56 : memref<1x64x128xf32, #tpu.memory_space<hbm>> -> memref<64x128xf32, #tpu.memory_space<hbm>>
    %dma_start3A_58 = arith.constant 0 : i32
    %dma_start3A_59 = tpu.memref_slice %arg4[%dma_start3A_54, %add3A_53, %dma_start3A_58] : memref<50x4096x128xf32, #tpu.memory_space<hbm>> -> memref<1x64x128xf32, #tpu.memory_space<hbm>>
    %dma_start3A_60 = tpu.memref_squeeze %dma_start3A_59 : memref<1x64x128xf32, #tpu.memory_space<hbm>> -> memref<64x128xf32, #tpu.memory_space<hbm>>
    tpu.enqueue_dma source(%arg7 : memref<64x128xf32, #tpu.memory_space<vmem>>) target(%dma_start3A_60 : memref<64x128xf32, #tpu.memory_space<hbm>>) target_semaphore(%arg15 : memref<!tpu.dma_semaphore, #tpu.memory_space<semaphore_mem>>)
    %dma_wait3A_61 = arith.constant 1 : i32
    %dma_wait3A_62 = arith.constant 0 : i32
    %dma_wait3A_63 = tpu.memref_slice %arg5[%dma_wait3A_61, %dma_wait3A_62] : memref<50x128xi32, #tpu.memory_space<vmem>> -> memref<1x64xi32, #tpu.memory_space<vmem>>
    %dma_wait3A_64 = tpu.memref_squeeze %dma_wait3A_63 : memref<1x64xi32, #tpu.memory_space<vmem>> -> memref<64xi32, #tpu.memory_space<vmem>>
    %dma_wait3A_65 = arith.constant 0 : i32
    %dma_wait3A_66 = arith.constant 0 : i32
    %dma_wait3A_67 = tpu.memref_slice %arg3[%dma_wait3A_65, %dma_wait3A_66] : memref<100000x128xf32, #tpu.memory_space<hbm>> -> memref<100000x128xf32, #tpu.memory_space<hbm>>
    tpu.wait_indirect_dma semaphore(%arg12 : memref<!tpu.dma_semaphore, #tpu.memory_space<semaphore_mem>>) src(%dma_wait3A_67 : memref<100000x128xf32, #tpu.memory_space<hbm>>) dst(%arg8 : memref<64x128xf32, #tpu.memory_space<vmem>>)
    %add3A_68 = arith.constant 0 : i32
    %add3A_69 = arith.addi %mul3A_2, %add3A_68 : i32
    %dma_start3A_70 = arith.constant 1 : i32
    %dma_start3A_71 = arith.constant 0 : i32
    %dma_start3A_72 = tpu.memref_slice %arg4[%dma_start3A_70, %add3A_69, %dma_start3A_71] : memref<50x4096x128xf32, #tpu.memory_space<hbm>> -> memref<1x64x128xf32, #tpu.memory_space<hbm>>
    %dma_start3A_73 = tpu.memref_squeeze %dma_start3A_72 : memref<1x64x128xf32, #tpu.memory_space<hbm>> -> memref<64x128xf32, #tpu.memory_space<hbm>>
    %dma_start3A_74 = arith.constant 0 : i32
    %dma_start3A_75 = tpu.memref_slice %arg4[%dma_start3A_70, %add3A_69, %dma_start3A_74] : memref<50x4096x128xf32, #tpu.memory_space<hbm>> -> memref<1x64x128xf32, #tpu.memory_space<hbm>>
    %dma_start3A_76 = tpu.memref_squeeze %dma_start3A_75 : memref<1x64x128xf32, #tpu.memory_space<hbm>> -> memref<64x128xf32, #tpu.memory_space<hbm>>
    tpu.enqueue_dma source(%arg8 : memref<64x128xf32, #tpu.memory_space<vmem>>) target(%dma_start3A_76 : memref<64x128xf32, #tpu.memory_space<hbm>>) target_semaphore(%arg16 : memref<!tpu.dma_semaphore, #tpu.memory_space<semaphore_mem>>)
    %add3A_77 = arith.constant 0 : i32
    %add3A_78 = arith.addi %mul3A_2, %add3A_77 : i32
    %dma_wait3A_79 = arith.constant 0 : i32
    %dma_wait3A_80 = arith.constant 0 : i32
    %dma_wait3A_81 = tpu.memref_slice %arg4[%dma_wait3A_79, %add3A_78, %dma_wait3A_80] : memref<50x4096x128xf32, #tpu.memory_space<hbm>> -> memref<1x64x128xf32, #tpu.memory_space<hbm>>
    %dma_wait3A_82 = tpu.memref_squeeze %dma_wait3A_81 : memref<1x64x128xf32, #tpu.memory_space<hbm>> -> memref<64x128xf32, #tpu.memory_space<hbm>>
    %dma_wait3A_83 = arith.constant 0 : i32
    %dma_wait3A_84 = tpu.memref_slice %arg4[%dma_wait3A_79, %add3A_78, %dma_wait3A_83] : memref<50x4096x128xf32, #tpu.memory_space<hbm>> -> memref<1x64x128xf32, #tpu.memory_space<hbm>>
    %dma_wait3A_85 = tpu.memref_squeeze %dma_wait3A_84 : memref<1x64x128xf32, #tpu.memory_space<hbm>> -> memref<64x128xf32, #tpu.memory_space<hbm>>
    tpu.wait_dma2 semaphore(%arg14 : memref<!tpu.dma_semaphore, #tpu.memory_space<semaphore_mem>>) src(%arg6 : memref<64x128xf32, #tpu.memory_space<vmem>>) dst(%dma_wait3A_85 : memref<64x128xf32, #tpu.memory_space<hbm>>)
    %dma_start3A_86 = arith.constant 2 : i32
    %dma_start3A_87 = arith.constant 0 : i32
    %dma_start3A_88 = tpu.memref_slice %arg5[%dma_start3A_86, %dma_start3A_87] : memref<50x128xi32, #tpu.memory_space<vmem>> -> memref<1x64xi32, #tpu.memory_space<vmem>>
    %dma_start3A_89 = tpu.memref_squeeze %dma_start3A_88 : memref<1x64xi32, #tpu.memory_space<vmem>> -> memref<64xi32, #tpu.memory_space<vmem>>
    %dma_start3A_90 = arith.constant 0 : i32
    %dma_start3A_91 = arith.constant 0 : i32
    %dma_start3A_92 = tpu.memref_slice %arg3[%dma_start3A_90, %dma_start3A_91] : memref<100000x128xf32, #tpu.memory_space<hbm>> -> memref<100000x128xf32, #tpu.memory_space<hbm>>
    tpu.enqueue_indirect_dma source(%dma_start3A_92 : memref<100000x128xf32, #tpu.memory_space<hbm>>) target(%arg6 : memref<64x128xf32, #tpu.memory_space<vmem>>) offsets(%dma_start3A_89 : memref<64xi32, #tpu.memory_space<vmem>>) semaphore(%arg10 : memref<!tpu.dma_semaphore, #tpu.memory_space<semaphore_mem>>)
    %dma_wait3A_93 = arith.constant 1 : i32
    %dma_wait3A_94 = arith.constant 64 : i32
    %dma_wait3A_95 = tpu.memref_slice %arg5[%dma_wait3A_93, %dma_wait3A_94] : memref<50x128xi32, #tpu.memory_space<vmem>> -> memref<1x64xi32, #tpu.memory_space<vmem>>
    %dma_wait3A_96 = tpu.memref_squeeze %dma_wait3A_95 : memref<1x64xi32, #tpu.memory_space<vmem>> -> memref<64xi32, #tpu.memory_space<vmem>>
    %dma_wait3A_97 = arith.constant 0 : i32
    %dma_wait3A_98 = arith.constant 0 : i32
    %dma_wait3A_99 = tpu.memref_slice %arg3[%dma_wait3A_97, %dma_wait3A_98] : memref<100000x128xf32, #tpu.memory_space<hbm>> -> memref<100000x128xf32, #tpu.memory_space<hbm>>
    tpu.wait_indirect_dma semaphore(%arg13 : memref<!tpu.dma_semaphore, #tpu.memory_space<semaphore_mem>>) src(%dma_wait3A_99 : memref<100000x128xf32, #tpu.memory_space<hbm>>) dst(%arg9 : memref<64x128xf32, #tpu.memory_space<vmem>>)
    %add3A_100 = arith.constant 64 : i32
    %add3A_101 = arith.addi %mul3A_2, %add3A_100 : i32
    %dma_start3A_102 = arith.constant 1 : i32
    %dma_start3A_103 = arith.constant 0 : i32
    %dma_start3A_104 = tpu.memref_slice %arg4[%dma_start3A_102, %add3A_101, %dma_start3A_103] : memref<50x4096x128xf32, #tpu.memory_space<hbm>> -> memref<1x64x128xf32, #tpu.memory_space<hbm>>
    %dma_start3A_105 = tpu.memref_squeeze %dma_start3A_104 : memref<1x64x128xf32, #tpu.memory_space<hbm>> -> memref<64x128xf32, #tpu.memory_space<hbm>>
    %dma_start3A_106 = arith.constant 0 : i32
    %dma_start3A_107 = tpu.memref_slice %arg4[%dma_start3A_102, %add3A_101, %dma_start3A_106] : memref<50x4096x128xf32, #tpu.memory_space<hbm>> -> memref<1x64x128xf32, #tpu.memory_space<hbm>>
    %dma_start3A_108 = tpu.memref_squeeze %dma_start3A_107 : memref<1x64x128xf32, #tpu.memory_space<hbm>> -> memref<64x128xf32, #tpu.memory_space<hbm>>
    tpu.enqueue_dma source(%arg9 : memref<64x128xf32, #tpu.memory_space<vmem>>) target(%dma_start3A_108 : memref<64x128xf32, #tpu.memory_space<hbm>>) target_semaphore(%arg17 : memref<!tpu.dma_semaphore, #tpu.memory_space<semaphore_mem>>)
    %add3A_109 = arith.constant 64 : i32
    %add3A_110 = arith.addi %mul3A_2, %add3A_109 : i32
    %dma_wait3A_111 = arith.constant 0 : i32
    %dma_wait3A_112 = arith.constant 0 : i32
    %dma_wait3A_113 = tpu.memref_slice %arg4[%dma_wait3A_111, %add3A_110, %dma_wait3A_112] : memref<50x4096x128xf32, #tpu.memory_space<hbm>> -> memref<1x64x128xf32, #tpu.memory_space<hbm>>
    %dma_wait3A_114 = tpu.memref_squeeze %dma_wait3A_113 : memref<1x64x128xf32, #tpu.memory_space<hbm>> -> memref<64x128xf32, #tpu.memory_space<hbm>>
    %dma_wait3A_115 = arith.constant 0 : i32
    %dma_wait3A_116 = tpu.memref_slice %arg4[%dma_wait3A_111, %add3A_110, %dma_wait3A_115] : memref<50x4096x128xf32, #tpu.memory_space<hbm>> -> memref<1x64x128xf32, #tpu.memory_space<hbm>>
    %dma_wait3A_117 = tpu.memref_squeeze %dma_wait3A_116 : memref<1x64x128xf32, #tpu.memory_space<hbm>> -> memref<64x128xf32, #tpu.memory_space<hbm>>
    tpu.wait_dma2 semaphore(%arg15 : memref<!tpu.dma_semaphore, #tpu.memory_space<semaphore_mem>>) src(%arg7 : memref<64x128xf32, #tpu.memory_space<vmem>>) dst(%dma_wait3A_117 : memref<64x128xf32, #tpu.memory_space<hbm>>)
    %dma_start3A_118 = arith.constant 2 : i32
    %dma_start3A_119 = arith.constant 64 : i32
    %dma_start3A_120 = tpu.memref_slice %arg5[%dma_start3A_118, %dma_start3A_119] : memref<50x128xi32, #tpu.memory_space<vmem>> -> memref<1x64xi32, #tpu.memory_space<vmem>>
    %dma_start3A_121 = tpu.memref_squeeze %dma_start3A_120 : memref<1x64xi32, #tpu.memory_space<vmem>> -> memref<64xi32, #tpu.memory_space<vmem>>
    %dma_start3A_122 = arith.constant 0 : i32
    %dma_start3A_123 = arith.constant 0 : i32
    %dma_start3A_124 = tpu.memref_slice %arg3[%dma_start3A_122, %dma_start3A_123] : memref<100000x128xf32, #tpu.memory_space<hbm>> -> memref<100000x128xf32, #tpu.memory_space<hbm>>
    tpu.enqueue_indirect_dma source(%dma_start3A_124 : memref<100000x128xf32, #tpu.memory_space<hbm>>) target(%arg7 : memref<64x128xf32, #tpu.memory_space<vmem>>) offsets(%dma_start3A_121 : memref<64xi32, #tpu.memory_space<vmem>>) semaphore(%arg11 : memref<!tpu.dma_semaphore, #tpu.memory_space<semaphore_mem>>)
    %scan3A = arith.constant 0 : i32
    %scan3A_125 = arith.constant 1 : i32
    %scan3A_126 = arith.constant 23 : i32
    %scan3A_127 = arith.addi %scan3A_125, %scan3A_126 : i32
    %scan3A_128 = arith.constant 1 : i32
    scf.for %scan3A_262 = %scan3A_125 to %scan3A_127 step %scan3A_128  : i32 {
      %mul3A_263 = arith.constant 4 : i32
      %mul3A_264 = arith.muli %scan3A_262, %mul3A_263 : i32
      %add3A_265 = arith.constant 0 : i32
      %add3A_266 = arith.addi %mul3A_264, %add3A_265 : i32
      %jit3A = arith.constant 2 : i32
      %div3A = arith.divsi %add3A_266, %jit3A : i32
      %sign3A = arith.constant 0 : i32
      %sign3A_267 = arith.cmpi sgt, %add3A_266, %sign3A : i32
      %sign3A_268 = arith.extui %sign3A_267 : i1 to i32
      %sign3A_269 = arith.constant 0 : i32
      %sign3A_270 = arith.cmpi slt, %add3A_266, %sign3A_269 : i32
      %sign3A_271 = arith.extui %sign3A_270 : i1 to i32
      %sign3A_272 = arith.subi %sign3A_268, %sign3A_271 : i32
      %sign3A_273 = arith.constant 0 : i32
      %sign3A_274 = arith.cmpi sgt, %jit3A, %sign3A_273 : i32
      %sign3A_275 = arith.extui %sign3A_274 : i1 to i32
      %sign3A_276 = arith.constant 0 : i32
      %sign3A_277 = arith.cmpi slt, %jit3A, %sign3A_276 : i32
      %sign3A_278 = arith.extui %sign3A_277 : i1 to i32
      %sign3A_279 = arith.subi %sign3A_275, %sign3A_278 : i32
      %ne3A = arith.cmpi ne, %sign3A_272, %sign3A_279 : i32
      %rem3A = arith.remsi %add3A_266, %jit3A : i32
      %ne3A_280 = arith.constant 0 : i32
      %ne3A_281 = arith.cmpi ne, %rem3A, %ne3A_280 : i32
      %and3A = arith.andi %ne3A, %ne3A_281 : i1
      %sub3A = arith.constant 1 : i32
      %sub3A_282 = arith.subi %div3A, %sub3A : i32
      %select_n3A = arith.select %and3A, %sub3A_282, %div3A : i32
      %jit3A_283 = arith.constant 2 : i32
      %eq3A = arith.constant 0 : i32
      %eq3A_284 = arith.cmpi eq, %jit3A_283, %eq3A : i32
      %jit3A_285 = arith.constant 1 : i32
      %select_n3A_286 = arith.select %eq3A_284, %jit3A_285, %jit3A_283 : i32
      %rem3A_287 = arith.remsi %add3A_266, %select_n3A_286 : i32
      %ne3A_288 = arith.constant 0 : i32
      %ne3A_289 = arith.cmpi ne, %rem3A_287, %ne3A_288 : i32
      %lt3A = arith.constant 0 : i32
      %lt3A_290 = arith.cmpi slt, %rem3A_287, %lt3A : i32
      %lt3A_291 = arith.constant 0 : i32
      %lt3A_292 = arith.cmpi slt, %select_n3A_286, %lt3A_291 : i32
      %ne3A_293 = arith.xori %lt3A_290, %lt3A_292 : i1
      %and3A_294 = arith.andi %ne3A_293, %ne3A_289 : i1
      %add3A_295 = arith.addi %rem3A_287, %select_n3A_286 : i32
      %select_n3A_296 = arith.select %and3A_294, %add3A_295, %rem3A_287 : i32
      %mul3A_297 = arith.constant 64 : i32
      %mul3A_298 = arith.muli %select_n3A_296, %mul3A_297 : i32
      %dma_wait3A_299 = tpu.memref_slice %arg5[%select_n3A, %mul3A_298] : memref<50x128xi32, #tpu.memory_space<vmem>> -> memref<1x64xi32, #tpu.memory_space<vmem>>
      %dma_wait3A_300 = tpu.memref_squeeze %dma_wait3A_299 : memref<1x64xi32, #tpu.memory_space<vmem>> -> memref<64xi32, #tpu.memory_space<vmem>>
      %dma_wait3A_301 = arith.constant 0 : i32
      %dma_wait3A_302 = arith.constant 0 : i32
      %dma_wait3A_303 = tpu.memref_slice %arg3[%dma_wait3A_301, %dma_wait3A_302] : memref<100000x128xf32, #tpu.memory_space<hbm>> -> memref<100000x128xf32, #tpu.memory_space<hbm>>
      tpu.wait_indirect_dma semaphore(%arg10 : memref<!tpu.dma_semaphore, #tpu.memory_space<semaphore_mem>>) src(%dma_wait3A_303 : memref<100000x128xf32, #tpu.memory_space<hbm>>) dst(%arg6 : memref<64x128xf32, #tpu.memory_space<vmem>>)
      %jit3A_304 = arith.constant 2 : i32
      %div3A_305 = arith.divsi %add3A_266, %jit3A_304 : i32
      %sign3A_306 = arith.constant 0 : i32
      %sign3A_307 = arith.cmpi sgt, %add3A_266, %sign3A_306 : i32
      %sign3A_308 = arith.extui %sign3A_307 : i1 to i32
      %sign3A_309 = arith.constant 0 : i32
      %sign3A_310 = arith.cmpi slt, %add3A_266, %sign3A_309 : i32
      %sign3A_311 = arith.extui %sign3A_310 : i1 to i32
      %sign3A_312 = arith.subi %sign3A_308, %sign3A_311 : i32
      %sign3A_313 = arith.constant 0 : i32
      %sign3A_314 = arith.cmpi sgt, %jit3A_304, %sign3A_313 : i32
      %sign3A_315 = arith.extui %sign3A_314 : i1 to i32
      %sign3A_316 = arith.constant 0 : i32
      %sign3A_317 = arith.cmpi slt, %jit3A_304, %sign3A_316 : i32
      %sign3A_318 = arith.extui %sign3A_317 : i1 to i32
      %sign3A_319 = arith.subi %sign3A_315, %sign3A_318 : i32
      %ne3A_320 = arith.cmpi ne, %sign3A_312, %sign3A_319 : i32
      %rem3A_321 = arith.remsi %add3A_266, %jit3A_304 : i32
      %ne3A_322 = arith.constant 0 : i32
      %ne3A_323 = arith.cmpi ne, %rem3A_321, %ne3A_322 : i32
      %and3A_324 = arith.andi %ne3A_320, %ne3A_323 : i1
      %sub3A_325 = arith.constant 1 : i32
      %sub3A_326 = arith.subi %div3A_305, %sub3A_325 : i32
      %select_n3A_327 = arith.select %and3A_324, %sub3A_326, %div3A_305 : i32
      %jit3A_328 = arith.constant 2 : i32
      %eq3A_329 = arith.constant 0 : i32
      %eq3A_330 = arith.cmpi eq, %jit3A_328, %eq3A_329 : i32
      %jit3A_331 = arith.constant 1 : i32
      %select_n3A_332 = arith.select %eq3A_330, %jit3A_331, %jit3A_328 : i32
      %rem3A_333 = arith.remsi %add3A_266, %select_n3A_332 : i32
      %ne3A_334 = arith.constant 0 : i32
      %ne3A_335 = arith.cmpi ne, %rem3A_333, %ne3A_334 : i32
      %lt3A_336 = arith.constant 0 : i32
      %lt3A_337 = arith.cmpi slt, %rem3A_333, %lt3A_336 : i32
      %lt3A_338 = arith.constant 0 : i32
      %lt3A_339 = arith.cmpi slt, %select_n3A_332, %lt3A_338 : i32
      %ne3A_340 = arith.xori %lt3A_337, %lt3A_339 : i1
      %and3A_341 = arith.andi %ne3A_340, %ne3A_335 : i1
      %add3A_342 = arith.addi %rem3A_333, %select_n3A_332 : i32
      %select_n3A_343 = arith.select %and3A_341, %add3A_342, %rem3A_333 : i32
      %mul3A_344 = arith.constant 64 : i32
      %mul3A_345 = arith.muli %select_n3A_343, %mul3A_344 : i32
      %add3A_346 = arith.addi %mul3A_2, %mul3A_345 : i32
      %dma_start3A_347 = arith.constant 0 : i32
      %dma_start3A_348 = tpu.memref_slice %arg4[%select_n3A_327, %add3A_346, %dma_start3A_347] : memref<50x4096x128xf32, #tpu.memory_space<hbm>> -> memref<1x64x128xf32, #tpu.memory_space<hbm>>
      %dma_start3A_349 = tpu.memref_squeeze %dma_start3A_348 : memref<1x64x128xf32, #tpu.memory_space<hbm>> -> memref<64x128xf32, #tpu.memory_space<hbm>>
      %dma_start3A_350 = arith.constant 0 : i32
      %dma_start3A_351 = tpu.memref_slice %arg4[%select_n3A_327, %add3A_346, %dma_start3A_350] : memref<50x4096x128xf32, #tpu.memory_space<hbm>> -> memref<1x64x128xf32, #tpu.memory_space<hbm>>
      %dma_start3A_352 = tpu.memref_squeeze %dma_start3A_351 : memref<1x64x128xf32, #tpu.memory_space<hbm>> -> memref<64x128xf32, #tpu.memory_space<hbm>>
      tpu.enqueue_dma source(%arg6 : memref<64x128xf32, #tpu.memory_space<vmem>>) target(%dma_start3A_352 : memref<64x128xf32, #tpu.memory_space<hbm>>) target_semaphore(%arg14 : memref<!tpu.dma_semaphore, #tpu.memory_space<semaphore_mem>>)
      %sub3A_353 = arith.constant 2 : i32
      %sub3A_354 = arith.subi %add3A_266, %sub3A_353 : i32
      %jit3A_355 = arith.constant 2 : i32
      %div3A_356 = arith.divsi %sub3A_354, %jit3A_355 : i32
      %sign3A_357 = arith.constant 0 : i32
      %sign3A_358 = arith.cmpi sgt, %sub3A_354, %sign3A_357 : i32
      %sign3A_359 = arith.extui %sign3A_358 : i1 to i32
      %sign3A_360 = arith.constant 0 : i32
      %sign3A_361 = arith.cmpi slt, %sub3A_354, %sign3A_360 : i32
      %sign3A_362 = arith.extui %sign3A_361 : i1 to i32
      %sign3A_363 = arith.subi %sign3A_359, %sign3A_362 : i32
      %sign3A_364 = arith.constant 0 : i32
      %sign3A_365 = arith.cmpi sgt, %jit3A_355, %sign3A_364 : i32
      %sign3A_366 = arith.extui %sign3A_365 : i1 to i32
      %sign3A_367 = arith.constant 0 : i32
      %sign3A_368 = arith.cmpi slt, %jit3A_355, %sign3A_367 : i32
      %sign3A_369 = arith.extui %sign3A_368 : i1 to i32
      %sign3A_370 = arith.subi %sign3A_366, %sign3A_369 : i32
      %ne3A_371 = arith.cmpi ne, %sign3A_363, %sign3A_370 : i32
      %rem3A_372 = arith.remsi %sub3A_354, %jit3A_355 : i32
      %ne3A_373 = arith.constant 0 : i32
      %ne3A_374 = arith.cmpi ne, %rem3A_372, %ne3A_373 : i32
      %and3A_375 = arith.andi %ne3A_371, %ne3A_374 : i1
      %sub3A_376 = arith.constant 1 : i32
      %sub3A_377 = arith.subi %div3A_356, %sub3A_376 : i32
      %select_n3A_378 = arith.select %and3A_375, %sub3A_377, %div3A_356 : i32
      %jit3A_379 = arith.constant 2 : i32
      %eq3A_380 = arith.constant 0 : i32
      %eq3A_381 = arith.cmpi eq, %jit3A_379, %eq3A_380 : i32
      %jit3A_382 = arith.constant 1 : i32
      %select_n3A_383 = arith.select %eq3A_381, %jit3A_382, %jit3A_379 : i32
      %rem3A_384 = arith.remsi %sub3A_354, %select_n3A_383 : i32
      %ne3A_385 = arith.constant 0 : i32
      %ne3A_386 = arith.cmpi ne, %rem3A_384, %ne3A_385 : i32
      %lt3A_387 = arith.constant 0 : i32
      %lt3A_388 = arith.cmpi slt, %rem3A_384, %lt3A_387 : i32
      %lt3A_389 = arith.constant 0 : i32
      %lt3A_390 = arith.cmpi slt, %select_n3A_383, %lt3A_389 : i32
      %ne3A_391 = arith.xori %lt3A_388, %lt3A_390 : i1
      %and3A_392 = arith.andi %ne3A_391, %ne3A_386 : i1
      %add3A_393 = arith.addi %rem3A_384, %select_n3A_383 : i32
      %select_n3A_394 = arith.select %and3A_392, %add3A_393, %rem3A_384 : i32
      %mul3A_395 = arith.constant 64 : i32
      %mul3A_396 = arith.muli %select_n3A_394, %mul3A_395 : i32
      %add3A_397 = arith.addi %mul3A_2, %mul3A_396 : i32
      %dma_wait3A_398 = arith.constant 0 : i32
      %dma_wait3A_399 = tpu.memref_slice %arg4[%select_n3A_378, %add3A_397, %dma_wait3A_398] : memref<50x4096x128xf32, #tpu.memory_space<hbm>> -> memref<1x64x128xf32, #tpu.memory_space<hbm>>
      %dma_wait3A_400 = tpu.memref_squeeze %dma_wait3A_399 : memref<1x64x128xf32, #tpu.memory_space<hbm>> -> memref<64x128xf32, #tpu.memory_space<hbm>>
      %dma_wait3A_401 = arith.constant 0 : i32
      %dma_wait3A_402 = tpu.memref_slice %arg4[%select_n3A_378, %add3A_397, %dma_wait3A_401] : memref<50x4096x128xf32, #tpu.memory_space<hbm>> -> memref<1x64x128xf32, #tpu.memory_space<hbm>>
      %dma_wait3A_403 = tpu.memref_squeeze %dma_wait3A_402 : memref<1x64x128xf32, #tpu.memory_space<hbm>> -> memref<64x128xf32, #tpu.memory_space<hbm>>
      tpu.wait_dma2 semaphore(%arg16 : memref<!tpu.dma_semaphore, #tpu.memory_space<semaphore_mem>>) src(%arg8 : memref<64x128xf32, #tpu.memory_space<vmem>>) dst(%dma_wait3A_403 : memref<64x128xf32, #tpu.memory_space<hbm>>)
      %add3A_404 = arith.constant 4 : i32
      %add3A_405 = arith.addi %add3A_266, %add3A_404 : i32
      %sub3A_406 = arith.constant 2 : i32
      %sub3A_407 = arith.subi %add3A_405, %sub3A_406 : i32
      %jit3A_408 = arith.constant 2 : i32
      %div3A_409 = arith.divsi %sub3A_407, %jit3A_408 : i32
      %sign3A_410 = arith.constant 0 : i32
      %sign3A_411 = arith.cmpi sgt, %sub3A_407, %sign3A_410 : i32
      %sign3A_412 = arith.extui %sign3A_411 : i1 to i32
      %sign3A_413 = arith.constant 0 : i32
      %sign3A_414 = arith.cmpi slt, %sub3A_407, %sign3A_413 : i32
      %sign3A_415 = arith.extui %sign3A_414 : i1 to i32
      %sign3A_416 = arith.subi %sign3A_412, %sign3A_415 : i32
      %sign3A_417 = arith.constant 0 : i32
      %sign3A_418 = arith.cmpi sgt, %jit3A_408, %sign3A_417 : i32
      %sign3A_419 = arith.extui %sign3A_418 : i1 to i32
      %sign3A_420 = arith.constant 0 : i32
      %sign3A_421 = arith.cmpi slt, %jit3A_408, %sign3A_420 : i32
      %sign3A_422 = arith.extui %sign3A_421 : i1 to i32
      %sign3A_423 = arith.subi %sign3A_419, %sign3A_422 : i32
      %ne3A_424 = arith.cmpi ne, %sign3A_416, %sign3A_423 : i32
      %rem3A_425 = arith.remsi %sub3A_407, %jit3A_408 : i32
      %ne3A_426 = arith.constant 0 : i32
      %ne3A_427 = arith.cmpi ne, %rem3A_425, %ne3A_426 : i32
      %and3A_428 = arith.andi %ne3A_424, %ne3A_427 : i1
      %sub3A_429 = arith.constant 1 : i32
      %sub3A_430 = arith.subi %div3A_409, %sub3A_429 : i32
      %select_n3A_431 = arith.select %and3A_428, %sub3A_430, %div3A_409 : i32
      %jit3A_432 = arith.constant 2 : i32
      %eq3A_433 = arith.constant 0 : i32
      %eq3A_434 = arith.cmpi eq, %jit3A_432, %eq3A_433 : i32
      %jit3A_435 = arith.constant 1 : i32
      %select_n3A_436 = arith.select %eq3A_434, %jit3A_435, %jit3A_432 : i32
      %rem3A_437 = arith.remsi %sub3A_407, %select_n3A_436 : i32
      %ne3A_438 = arith.constant 0 : i32
      %ne3A_439 = arith.cmpi ne, %rem3A_437, %ne3A_438 : i32
      %lt3A_440 = arith.constant 0 : i32
      %lt3A_441 = arith.cmpi slt, %rem3A_437, %lt3A_440 : i32
      %lt3A_442 = arith.constant 0 : i32
      %lt3A_443 = arith.cmpi slt, %select_n3A_436, %lt3A_442 : i32
      %ne3A_444 = arith.xori %lt3A_441, %lt3A_443 : i1
      %and3A_445 = arith.andi %ne3A_444, %ne3A_439 : i1
      %add3A_446 = arith.addi %rem3A_437, %select_n3A_436 : i32
      %select_n3A_447 = arith.select %and3A_445, %add3A_446, %rem3A_437 : i32
      %mul3A_448 = arith.constant 64 : i32
      %mul3A_449 = arith.muli %select_n3A_447, %mul3A_448 : i32
      %dma_start3A_450 = tpu.memref_slice %arg5[%select_n3A_431, %mul3A_449] : memref<50x128xi32, #tpu.memory_space<vmem>> -> memref<1x64xi32, #tpu.memory_space<vmem>>
      %dma_start3A_451 = tpu.memref_squeeze %dma_start3A_450 : memref<1x64xi32, #tpu.memory_space<vmem>> -> memref<64xi32, #tpu.memory_space<vmem>>
      %dma_start3A_452 = arith.constant 0 : i32
      %dma_start3A_453 = arith.constant 0 : i32
      %dma_start3A_454 = tpu.memref_slice %arg3[%dma_start3A_452, %dma_start3A_453] : memref<100000x128xf32, #tpu.memory_space<hbm>> -> memref<100000x128xf32, #tpu.memory_space<hbm>>
      tpu.enqueue_indirect_dma source(%dma_start3A_454 : memref<100000x128xf32, #tpu.memory_space<hbm>>) target(%arg8 : memref<64x128xf32, #tpu.memory_space<vmem>>) offsets(%dma_start3A_451 : memref<64xi32, #tpu.memory_space<vmem>>) semaphore(%arg12 : memref<!tpu.dma_semaphore, #tpu.memory_space<semaphore_mem>>)
      %add3A_455 = arith.constant 1 : i32
      %add3A_456 = arith.addi %mul3A_264, %add3A_455 : i32
      %jit3A_457 = arith.constant 2 : i32
      %div3A_458 = arith.divsi %add3A_456, %jit3A_457 : i32
      %sign3A_459 = arith.constant 0 : i32
      %sign3A_460 = arith.cmpi sgt, %add3A_456, %sign3A_459 : i32
      %sign3A_461 = arith.extui %sign3A_460 : i1 to i32
      %sign3A_462 = arith.constant 0 : i32
      %sign3A_463 = arith.cmpi slt, %add3A_456, %sign3A_462 : i32
      %sign3A_464 = arith.extui %sign3A_463 : i1 to i32
      %sign3A_465 = arith.subi %sign3A_461, %sign3A_464 : i32
      %sign3A_466 = arith.constant 0 : i32
      %sign3A_467 = arith.cmpi sgt, %jit3A_457, %sign3A_466 : i32
      %sign3A_468 = arith.extui %sign3A_467 : i1 to i32
      %sign3A_469 = arith.constant 0 : i32
      %sign3A_470 = arith.cmpi slt, %jit3A_457, %sign3A_469 : i32
      %sign3A_471 = arith.extui %sign3A_470 : i1 to i32
      %sign3A_472 = arith.subi %sign3A_468, %sign3A_471 : i32
      %ne3A_473 = arith.cmpi ne, %sign3A_465, %sign3A_472 : i32
      %rem3A_474 = arith.remsi %add3A_456, %jit3A_457 : i32
      %ne3A_475 = arith.constant 0 : i32
      %ne3A_476 = arith.cmpi ne, %rem3A_474, %ne3A_475 : i32
      %and3A_477 = arith.andi %ne3A_473, %ne3A_476 : i1
      %sub3A_478 = arith.constant 1 : i32
      %sub3A_479 = arith.subi %div3A_458, %sub3A_478 : i32
      %select_n3A_480 = arith.select %and3A_477, %sub3A_479, %div3A_458 : i32
      %jit3A_481 = arith.constant 2 : i32
      %eq3A_482 = arith.constant 0 : i32
      %eq3A_483 = arith.cmpi eq, %jit3A_481, %eq3A_482 : i32
      %jit3A_484 = arith.constant 1 : i32
      %select_n3A_485 = arith.select %eq3A_483, %jit3A_484, %jit3A_481 : i32
      %rem3A_486 = arith.remsi %add3A_456, %select_n3A_485 : i32
      %ne3A_487 = arith.constant 0 : i32
      %ne3A_488 = arith.cmpi ne, %rem3A_486, %ne3A_487 : i32
      %lt3A_489 = arith.constant 0 : i32
      %lt3A_490 = arith.cmpi slt, %rem3A_486, %lt3A_489 : i32
      %lt3A_491 = arith.constant 0 : i32
      %lt3A_492 = arith.cmpi slt, %select_n3A_485, %lt3A_491 : i32
      %ne3A_493 = arith.xori %lt3A_490, %lt3A_492 : i1
      %and3A_494 = arith.andi %ne3A_493, %ne3A_488 : i1
      %add3A_495 = arith.addi %rem3A_486, %select_n3A_485 : i32
      %select_n3A_496 = arith.select %and3A_494, %add3A_495, %rem3A_486 : i32
      %mul3A_497 = arith.constant 64 : i32
      %mul3A_498 = arith.muli %select_n3A_496, %mul3A_497 : i32
      %dma_wait3A_499 = tpu.memref_slice %arg5[%select_n3A_480, %mul3A_498] : memref<50x128xi32, #tpu.memory_space<vmem>> -> memref<1x64xi32, #tpu.memory_space<vmem>>
      %dma_wait3A_500 = tpu.memref_squeeze %dma_wait3A_499 : memref<1x64xi32, #tpu.memory_space<vmem>> -> memref<64xi32, #tpu.memory_space<vmem>>
      %dma_wait3A_501 = arith.constant 0 : i32
      %dma_wait3A_502 = arith.constant 0 : i32
      %dma_wait3A_503 = tpu.memref_slice %arg3[%dma_wait3A_501, %dma_wait3A_502] : memref<100000x128xf32, #tpu.memory_space<hbm>> -> memref<100000x128xf32, #tpu.memory_space<hbm>>
      tpu.wait_indirect_dma semaphore(%arg11 : memref<!tpu.dma_semaphore, #tpu.memory_space<semaphore_mem>>) src(%dma_wait3A_503 : memref<100000x128xf32, #tpu.memory_space<hbm>>) dst(%arg7 : memref<64x128xf32, #tpu.memory_space<vmem>>)
      %jit3A_504 = arith.constant 2 : i32
      %div3A_505 = arith.divsi %add3A_456, %jit3A_504 : i32
      %sign3A_506 = arith.constant 0 : i32
      %sign3A_507 = arith.cmpi sgt, %add3A_456, %sign3A_506 : i32
      %sign3A_508 = arith.extui %sign3A_507 : i1 to i32
      %sign3A_509 = arith.constant 0 : i32
      %sign3A_510 = arith.cmpi slt, %add3A_456, %sign3A_509 : i32
      %sign3A_511 = arith.extui %sign3A_510 : i1 to i32
      %sign3A_512 = arith.subi %sign3A_508, %sign3A_511 : i32
      %sign3A_513 = arith.constant 0 : i32
      %sign3A_514 = arith.cmpi sgt, %jit3A_504, %sign3A_513 : i32
      %sign3A_515 = arith.extui %sign3A_514 : i1 to i32
      %sign3A_516 = arith.constant 0 : i32
      %sign3A_517 = arith.cmpi slt, %jit3A_504, %sign3A_516 : i32
      %sign3A_518 = arith.extui %sign3A_517 : i1 to i32
      %sign3A_519 = arith.subi %sign3A_515, %sign3A_518 : i32
      %ne3A_520 = arith.cmpi ne, %sign3A_512, %sign3A_519 : i32
      %rem3A_521 = arith.remsi %add3A_456, %jit3A_504 : i32
      %ne3A_522 = arith.constant 0 : i32
      %ne3A_523 = arith.cmpi ne, %rem3A_521, %ne3A_522 : i32
      %and3A_524 = arith.andi %ne3A_520, %ne3A_523 : i1
      %sub3A_525 = arith.constant 1 : i32
      %sub3A_526 = arith.subi %div3A_505, %sub3A_525 : i32
      %select_n3A_527 = arith.select %and3A_524, %sub3A_526, %div3A_505 : i32
      %jit3A_528 = arith.constant 2 : i32
      %eq3A_529 = arith.constant 0 : i32
      %eq3A_530 = arith.cmpi eq, %jit3A_528, %eq3A_529 : i32
      %jit3A_531 = arith.constant 1 : i32
      %select_n3A_532 = arith.select %eq3A_530, %jit3A_531, %jit3A_528 : i32
      %rem3A_533 = arith.remsi %add3A_456, %select_n3A_532 : i32
      %ne3A_534 = arith.constant 0 : i32
      %ne3A_535 = arith.cmpi ne, %rem3A_533, %ne3A_534 : i32
      %lt3A_536 = arith.constant 0 : i32
      %lt3A_537 = arith.cmpi slt, %rem3A_533, %lt3A_536 : i32
      %lt3A_538 = arith.constant 0 : i32
      %lt3A_539 = arith.cmpi slt, %select_n3A_532, %lt3A_538 : i32
      %ne3A_540 = arith.xori %lt3A_537, %lt3A_539 : i1
      %and3A_541 = arith.andi %ne3A_540, %ne3A_535 : i1
      %add3A_542 = arith.addi %rem3A_533, %select_n3A_532 : i32
      %select_n3A_543 = arith.select %and3A_541, %add3A_542, %rem3A_533 : i32
      %mul3A_544 = arith.constant 64 : i32
      %mul3A_545 = arith.muli %select_n3A_543, %mul3A_544 : i32
      %add3A_546 = arith.addi %mul3A_2, %mul3A_545 : i32
      %dma_start3A_547 = arith.constant 0 : i32
      %dma_start3A_548 = tpu.memref_slice %arg4[%select_n3A_527, %add3A_546, %dma_start3A_547] : memref<50x4096x128xf32, #tpu.memory_space<hbm>> -> memref<1x64x128xf32, #tpu.memory_space<hbm>>
      %dma_start3A_549 = tpu.memref_squeeze %dma_start3A_548 : memref<1x64x128xf32, #tpu.memory_space<hbm>> -> memref<64x128xf32, #tpu.memory_space<hbm>>
      %dma_start3A_550 = arith.constant 0 : i32
      %dma_start3A_551 = tpu.memref_slice %arg4[%select_n3A_527, %add3A_546, %dma_start3A_550] : memref<50x4096x128xf32, #tpu.memory_space<hbm>> -> memref<1x64x128xf32, #tpu.memory_space<hbm>>
      %dma_start3A_552 = tpu.memref_squeeze %dma_start3A_551 : memref<1x64x128xf32, #tpu.memory_space<hbm>> -> memref<64x128xf32, #tpu.memory_space<hbm>>
      tpu.enqueue_dma source(%arg7 : memref<64x128xf32, #tpu.memory_space<vmem>>) target(%dma_start3A_552 : memref<64x128xf32, #tpu.memory_space<hbm>>) target_semaphore(%arg15 : memref<!tpu.dma_semaphore, #tpu.memory_space<semaphore_mem>>)
      %sub3A_553 = arith.constant 2 : i32
      %sub3A_554 = arith.subi %add3A_456, %sub3A_553 : i32
      %jit3A_555 = arith.constant 2 : i32
      %div3A_556 = arith.divsi %sub3A_554, %jit3A_555 : i32
      %sign3A_557 = arith.constant 0 : i32
      %sign3A_558 = arith.cmpi sgt, %sub3A_554, %sign3A_557 : i32
      %sign3A_559 = arith.extui %sign3A_558 : i1 to i32
      %sign3A_560 = arith.constant 0 : i32
      %sign3A_561 = arith.cmpi slt, %sub3A_554, %sign3A_560 : i32
      %sign3A_562 = arith.extui %sign3A_561 : i1 to i32
      %sign3A_563 = arith.subi %sign3A_559, %sign3A_562 : i32
      %sign3A_564 = arith.constant 0 : i32
      %sign3A_565 = arith.cmpi sgt, %jit3A_555, %sign3A_564 : i32
      %sign3A_566 = arith.extui %sign3A_565 : i1 to i32
      %sign3A_567 = arith.constant 0 : i32
      %sign3A_568 = arith.cmpi slt, %jit3A_555, %sign3A_567 : i32
      %sign3A_569 = arith.extui %sign3A_568 : i1 to i32
      %sign3A_570 = arith.subi %sign3A_566, %sign3A_569 : i32
      %ne3A_571 = arith.cmpi ne, %sign3A_563, %sign3A_570 : i32
      %rem3A_572 = arith.remsi %sub3A_554, %jit3A_555 : i32
      %ne3A_573 = arith.constant 0 : i32
      %ne3A_574 = arith.cmpi ne, %rem3A_572, %ne3A_573 : i32
      %and3A_575 = arith.andi %ne3A_571, %ne3A_574 : i1
      %sub3A_576 = arith.constant 1 : i32
      %sub3A_577 = arith.subi %div3A_556, %sub3A_576 : i32
      %select_n3A_578 = arith.select %and3A_575, %sub3A_577, %div3A_556 : i32
      %jit3A_579 = arith.constant 2 : i32
      %eq3A_580 = arith.constant 0 : i32
      %eq3A_581 = arith.cmpi eq, %jit3A_579, %eq3A_580 : i32
      %jit3A_582 = arith.constant 1 : i32
      %select_n3A_583 = arith.select %eq3A_581, %jit3A_582, %jit3A_579 : i32
      %rem3A_584 = arith.remsi %sub3A_554, %select_n3A_583 : i32
      %ne3A_585 = arith.constant 0 : i32
      %ne3A_586 = arith.cmpi ne, %rem3A_584, %ne3A_585 : i32
      %lt3A_587 = arith.constant 0 : i32
      %lt3A_588 = arith.cmpi slt, %rem3A_584, %lt3A_587 : i32
      %lt3A_589 = arith.constant 0 : i32
      %lt3A_590 = arith.cmpi slt, %select_n3A_583, %lt3A_589 : i32
      %ne3A_591 = arith.xori %lt3A_588, %lt3A_590 : i1
      %and3A_592 = arith.andi %ne3A_591, %ne3A_586 : i1
      %add3A_593 = arith.addi %rem3A_584, %select_n3A_583 : i32
      %select_n3A_594 = arith.select %and3A_592, %add3A_593, %rem3A_584 : i32
      %mul3A_595 = arith.constant 64 : i32
      %mul3A_596 = arith.muli %select_n3A_594, %mul3A_595 : i32
      %add3A_597 = arith.addi %mul3A_2, %mul3A_596 : i32
      %dma_wait3A_598 = arith.constant 0 : i32
      %dma_wait3A_599 = tpu.memref_slice %arg4[%select_n3A_578, %add3A_597, %dma_wait3A_598] : memref<50x4096x128xf32, #tpu.memory_space<hbm>> -> memref<1x64x128xf32, #tpu.memory_space<hbm>>
      %dma_wait3A_600 = tpu.memref_squeeze %dma_wait3A_599 : memref<1x64x128xf32, #tpu.memory_space<hbm>> -> memref<64x128xf32, #tpu.memory_space<hbm>>
      %dma_wait3A_601 = arith.constant 0 : i32
      %dma_wait3A_602 = tpu.memref_slice %arg4[%select_n3A_578, %add3A_597, %dma_wait3A_601] : memref<50x4096x128xf32, #tpu.memory_space<hbm>> -> memref<1x64x128xf32, #tpu.memory_space<hbm>>
      %dma_wait3A_603 = tpu.memref_squeeze %dma_wait3A_602 : memref<1x64x128xf32, #tpu.memory_space<hbm>> -> memref<64x128xf32, #tpu.memory_space<hbm>>
      tpu.wait_dma2 semaphore(%arg17 : memref<!tpu.dma_semaphore, #tpu.memory_space<semaphore_mem>>) src(%arg9 : memref<64x128xf32, #tpu.memory_space<vmem>>) dst(%dma_wait3A_603 : memref<64x128xf32, #tpu.memory_space<hbm>>)
      %add3A_604 = arith.constant 4 : i32
      %add3A_605 = arith.addi %add3A_456, %add3A_604 : i32
      %sub3A_606 = arith.constant 2 : i32
      %sub3A_607 = arith.subi %add3A_605, %sub3A_606 : i32
      %jit3A_608 = arith.constant 2 : i32
      %div3A_609 = arith.divsi %sub3A_607, %jit3A_608 : i32
      %sign3A_610 = arith.constant 0 : i32
      %sign3A_611 = arith.cmpi sgt, %sub3A_607, %sign3A_610 : i32
      %sign3A_612 = arith.extui %sign3A_611 : i1 to i32
      %sign3A_613 = arith.constant 0 : i32
      %sign3A_614 = arith.cmpi slt, %sub3A_607, %sign3A_613 : i32
      %sign3A_615 = arith.extui %sign3A_614 : i1 to i32
      %sign3A_616 = arith.subi %sign3A_612, %sign3A_615 : i32
      %sign3A_617 = arith.constant 0 : i32
      %sign3A_618 = arith.cmpi sgt, %jit3A_608, %sign3A_617 : i32
      %sign3A_619 = arith.extui %sign3A_618 : i1 to i32
      %sign3A_620 = arith.constant 0 : i32
      %sign3A_621 = arith.cmpi slt, %jit3A_608, %sign3A_620 : i32
      %sign3A_622 = arith.extui %sign3A_621 : i1 to i32
      %sign3A_623 = arith.subi %sign3A_619, %sign3A_622 : i32
      %ne3A_624 = arith.cmpi ne, %sign3A_616, %sign3A_623 : i32
      %rem3A_625 = arith.remsi %sub3A_607, %jit3A_608 : i32
      %ne3A_626 = arith.constant 0 : i32
      %ne3A_627 = arith.cmpi ne, %rem3A_625, %ne3A_626 : i32
      %and3A_628 = arith.andi %ne3A_624, %ne3A_627 : i1
      %sub3A_629 = arith.constant 1 : i32
      %sub3A_630 = arith.subi %div3A_609, %sub3A_629 : i32
      %select_n3A_631 = arith.select %and3A_628, %sub3A_630, %div3A_609 : i32
      %jit3A_632 = arith.constant 2 : i32
      %eq3A_633 = arith.constant 0 : i32
      %eq3A_634 = arith.cmpi eq, %jit3A_632, %eq3A_633 : i32
      %jit3A_635 = arith.constant 1 : i32
      %select_n3A_636 = arith.select %eq3A_634, %jit3A_635, %jit3A_632 : i32
      %rem3A_637 = arith.remsi %sub3A_607, %select_n3A_636 : i32
      %ne3A_638 = arith.constant 0 : i32
      %ne3A_639 = arith.cmpi ne, %rem3A_637, %ne3A_638 : i32
      %lt3A_640 = arith.constant 0 : i32
      %lt3A_641 = arith.cmpi slt, %rem3A_637, %lt3A_640 : i32
      %lt3A_642 = arith.constant 0 : i32
      %lt3A_643 = arith.cmpi slt, %select_n3A_636, %lt3A_642 : i32
      %ne3A_644 = arith.xori %lt3A_641, %lt3A_643 : i1
      %and3A_645 = arith.andi %ne3A_644, %ne3A_639 : i1
      %add3A_646 = arith.addi %rem3A_637, %select_n3A_636 : i32
      %select_n3A_647 = arith.select %and3A_645, %add3A_646, %rem3A_637 : i32
      %mul3A_648 = arith.constant 64 : i32
      %mul3A_649 = arith.muli %select_n3A_647, %mul3A_648 : i32
      %dma_start3A_650 = tpu.memref_slice %arg5[%select_n3A_631, %mul3A_649] : memref<50x128xi32, #tpu.memory_space<vmem>> -> memref<1x64xi32, #tpu.memory_space<vmem>>
      %dma_start3A_651 = tpu.memref_squeeze %dma_start3A_650 : memref<1x64xi32, #tpu.memory_space<vmem>> -> memref<64xi32, #tpu.memory_space<vmem>>
      %dma_start3A_652 = arith.constant 0 : i32
      %dma_start3A_653 = arith.constant 0 : i32
      %dma_start3A_654 = tpu.memref_slice %arg3[%dma_start3A_652, %dma_start3A_653] : memref<100000x128xf32, #tpu.memory_space<hbm>> -> memref<100000x128xf32, #tpu.memory_space<hbm>>
      tpu.enqueue_indirect_dma source(%dma_start3A_654 : memref<100000x128xf32, #tpu.memory_space<hbm>>) target(%arg9 : memref<64x128xf32, #tpu.memory_space<vmem>>) offsets(%dma_start3A_651 : memref<64xi32, #tpu.memory_space<vmem>>) semaphore(%arg13 : memref<!tpu.dma_semaphore, #tpu.memory_space<semaphore_mem>>)
      %add3A_655 = arith.constant 2 : i32
      %add3A_656 = arith.addi %mul3A_264, %add3A_655 : i32
      %jit3A_657 = arith.constant 2 : i32
      %div3A_658 = arith.divsi %add3A_656, %jit3A_657 : i32
      %sign3A_659 = arith.constant 0 : i32
      %sign3A_660 = arith.cmpi sgt, %add3A_656, %sign3A_659 : i32
      %sign3A_661 = arith.extui %sign3A_660 : i1 to i32
      %sign3A_662 = arith.constant 0 : i32
      %sign3A_663 = arith.cmpi slt, %add3A_656, %sign3A_662 : i32
      %sign3A_664 = arith.extui %sign3A_663 : i1 to i32
      %sign3A_665 = arith.subi %sign3A_661, %sign3A_664 : i32
      %sign3A_666 = arith.constant 0 : i32
      %sign3A_667 = arith.cmpi sgt, %jit3A_657, %sign3A_666 : i32
      %sign3A_668 = arith.extui %sign3A_667 : i1 to i32
      %sign3A_669 = arith.constant 0 : i32
      %sign3A_670 = arith.cmpi slt, %jit3A_657, %sign3A_669 : i32
      %sign3A_671 = arith.extui %sign3A_670 : i1 to i32
      %sign3A_672 = arith.subi %sign3A_668, %sign3A_671 : i32
      %ne3A_673 = arith.cmpi ne, %sign3A_665, %sign3A_672 : i32
      %rem3A_674 = arith.remsi %add3A_656, %jit3A_657 : i32
      %ne3A_675 = arith.constant 0 : i32
      %ne3A_676 = arith.cmpi ne, %rem3A_674, %ne3A_675 : i32
      %and3A_677 = arith.andi %ne3A_673, %ne3A_676 : i1
      %sub3A_678 = arith.constant 1 : i32
      %sub3A_679 = arith.subi %div3A_658, %sub3A_678 : i32
      %select_n3A_680 = arith.select %and3A_677, %sub3A_679, %div3A_658 : i32
      %jit3A_681 = arith.constant 2 : i32
      %eq3A_682 = arith.constant 0 : i32
      %eq3A_683 = arith.cmpi eq, %jit3A_681, %eq3A_682 : i32
      %jit3A_684 = arith.constant 1 : i32
      %select_n3A_685 = arith.select %eq3A_683, %jit3A_684, %jit3A_681 : i32
      %rem3A_686 = arith.remsi %add3A_656, %select_n3A_685 : i32
      %ne3A_687 = arith.constant 0 : i32
      %ne3A_688 = arith.cmpi ne, %rem3A_686, %ne3A_687 : i32
      %lt3A_689 = arith.constant 0 : i32
      %lt3A_690 = arith.cmpi slt, %rem3A_686, %lt3A_689 : i32
      %lt3A_691 = arith.constant 0 : i32
      %lt3A_692 = arith.cmpi slt, %select_n3A_685, %lt3A_691 : i32
      %ne3A_693 = arith.xori %lt3A_690, %lt3A_692 : i1
      %and3A_694 = arith.andi %ne3A_693, %ne3A_688 : i1
      %add3A_695 = arith.addi %rem3A_686, %select_n3A_685 : i32
      %select_n3A_696 = arith.select %and3A_694, %add3A_695, %rem3A_686 : i32
      %mul3A_697 = arith.constant 64 : i32
      %mul3A_698 = arith.muli %select_n3A_696, %mul3A_697 : i32
      %dma_wait3A_699 = tpu.memref_slice %arg5[%select_n3A_680, %mul3A_698] : memref<50x128xi32, #tpu.memory_space<vmem>> -> memref<1x64xi32, #tpu.memory_space<vmem>>
      %dma_wait3A_700 = tpu.memref_squeeze %dma_wait3A_699 : memref<1x64xi32, #tpu.memory_space<vmem>> -> memref<64xi32, #tpu.memory_space<vmem>>
      %dma_wait3A_701 = arith.constant 0 : i32
      %dma_wait3A_702 = arith.constant 0 : i32
      %dma_wait3A_703 = tpu.memref_slice %arg3[%dma_wait3A_701, %dma_wait3A_702] : memref<100000x128xf32, #tpu.memory_space<hbm>> -> memref<100000x128xf32, #tpu.memory_space<hbm>>
      tpu.wait_indirect_dma semaphore(%arg12 : memref<!tpu.dma_semaphore, #tpu.memory_space<semaphore_mem>>) src(%dma_wait3A_703 : memref<100000x128xf32, #tpu.memory_space<hbm>>) dst(%arg8 : memref<64x128xf32, #tpu.memory_space<vmem>>)
      %jit3A_704 = arith.constant 2 : i32
      %div3A_705 = arith.divsi %add3A_656, %jit3A_704 : i32
      %sign3A_706 = arith.constant 0 : i32
      %sign3A_707 = arith.cmpi sgt, %add3A_656, %sign3A_706 : i32
      %sign3A_708 = arith.extui %sign3A_707 : i1 to i32
      %sign3A_709 = arith.constant 0 : i32
      %sign3A_710 = arith.cmpi slt, %add3A_656, %sign3A_709 : i32
      %sign3A_711 = arith.extui %sign3A_710 : i1 to i32
      %sign3A_712 = arith.subi %sign3A_708, %sign3A_711 : i32
      %sign3A_713 = arith.constant 0 : i32
      %sign3A_714 = arith.cmpi sgt, %jit3A_704, %sign3A_713 : i32
      %sign3A_715 = arith.extui %sign3A_714 : i1 to i32
      %sign3A_716 = arith.constant 0 : i32
      %sign3A_717 = arith.cmpi slt, %jit3A_704, %sign3A_716 : i32
      %sign3A_718 = arith.extui %sign3A_717 : i1 to i32
      %sign3A_719 = arith.subi %sign3A_715, %sign3A_718 : i32
      %ne3A_720 = arith.cmpi ne, %sign3A_712, %sign3A_719 : i32
      %rem3A_721 = arith.remsi %add3A_656, %jit3A_704 : i32
      %ne3A_722 = arith.constant 0 : i32
      %ne3A_723 = arith.cmpi ne, %rem3A_721, %ne3A_722 : i32
      %and3A_724 = arith.andi %ne3A_720, %ne3A_723 : i1
      %sub3A_725 = arith.constant 1 : i32
      %sub3A_726 = arith.subi %div3A_705, %sub3A_725 : i32
      %select_n3A_727 = arith.select %and3A_724, %sub3A_726, %div3A_705 : i32
      %jit3A_728 = arith.constant 2 : i32
      %eq3A_729 = arith.constant 0 : i32
      %eq3A_730 = arith.cmpi eq, %jit3A_728, %eq3A_729 : i32
      %jit3A_731 = arith.constant 1 : i32
      %select_n3A_732 = arith.select %eq3A_730, %jit3A_731, %jit3A_728 : i32
      %rem3A_733 = arith.remsi %add3A_656, %select_n3A_732 : i32
      %ne3A_734 = arith.constant 0 : i32
      %ne3A_735 = arith.cmpi ne, %rem3A_733, %ne3A_734 : i32
      %lt3A_736 = arith.constant 0 : i32
      %lt3A_737 = arith.cmpi slt, %rem3A_733, %lt3A_736 : i32
      %lt3A_738 = arith.constant 0 : i32
      %lt3A_739 = arith.cmpi slt, %select_n3A_732, %lt3A_738 : i32
      %ne3A_740 = arith.xori %lt3A_737, %lt3A_739 : i1
      %and3A_741 = arith.andi %ne3A_740, %ne3A_735 : i1
      %add3A_742 = arith.addi %rem3A_733, %select_n3A_732 : i32
      %select_n3A_743 = arith.select %and3A_741, %add3A_742, %rem3A_733 : i32
      %mul3A_744 = arith.constant 64 : i32
      %mul3A_745 = arith.muli %select_n3A_743, %mul3A_744 : i32
      %add3A_746 = arith.addi %mul3A_2, %mul3A_745 : i32
      %dma_start3A_747 = arith.constant 0 : i32
      %dma_start3A_748 = tpu.memref_slice %arg4[%select_n3A_727, %add3A_746, %dma_start3A_747] : memref<50x4096x128xf32, #tpu.memory_space<hbm>> -> memref<1x64x128xf32, #tpu.memory_space<hbm>>
      %dma_start3A_749 = tpu.memref_squeeze %dma_start3A_748 : memref<1x64x128xf32, #tpu.memory_space<hbm>> -> memref<64x128xf32, #tpu.memory_space<hbm>>
      %dma_start3A_750 = arith.constant 0 : i32
      %dma_start3A_751 = tpu.memref_slice %arg4[%select_n3A_727, %add3A_746, %dma_start3A_750] : memref<50x4096x128xf32, #tpu.memory_space<hbm>> -> memref<1x64x128xf32, #tpu.memory_space<hbm>>
      %dma_start3A_752 = tpu.memref_squeeze %dma_start3A_751 : memref<1x64x128xf32, #tpu.memory_space<hbm>> -> memref<64x128xf32, #tpu.memory_space<hbm>>
      tpu.enqueue_dma source(%arg8 : memref<64x128xf32, #tpu.memory_space<vmem>>) target(%dma_start3A_752 : memref<64x128xf32, #tpu.memory_space<hbm>>) target_semaphore(%arg16 : memref<!tpu.dma_semaphore, #tpu.memory_space<semaphore_mem>>)
      %sub3A_753 = arith.constant 2 : i32
      %sub3A_754 = arith.subi %add3A_656, %sub3A_753 : i32
      %jit3A_755 = arith.constant 2 : i32
      %div3A_756 = arith.divsi %sub3A_754, %jit3A_755 : i32
      %sign3A_757 = arith.constant 0 : i32
      %sign3A_758 = arith.cmpi sgt, %sub3A_754, %sign3A_757 : i32
      %sign3A_759 = arith.extui %sign3A_758 : i1 to i32
      %sign3A_760 = arith.constant 0 : i32
      %sign3A_761 = arith.cmpi slt, %sub3A_754, %sign3A_760 : i32
      %sign3A_762 = arith.extui %sign3A_761 : i1 to i32
      %sign3A_763 = arith.subi %sign3A_759, %sign3A_762 : i32
      %sign3A_764 = arith.constant 0 : i32
      %sign3A_765 = arith.cmpi sgt, %jit3A_755, %sign3A_764 : i32
      %sign3A_766 = arith.extui %sign3A_765 : i1 to i32
      %sign3A_767 = arith.constant 0 : i32
      %sign3A_768 = arith.cmpi slt, %jit3A_755, %sign3A_767 : i32
      %sign3A_769 = arith.extui %sign3A_768 : i1 to i32
      %sign3A_770 = arith.subi %sign3A_766, %sign3A_769 : i32
      %ne3A_771 = arith.cmpi ne, %sign3A_763, %sign3A_770 : i32
      %rem3A_772 = arith.remsi %sub3A_754, %jit3A_755 : i32
      %ne3A_773 = arith.constant 0 : i32
      %ne3A_774 = arith.cmpi ne, %rem3A_772, %ne3A_773 : i32
      %and3A_775 = arith.andi %ne3A_771, %ne3A_774 : i1
      %sub3A_776 = arith.constant 1 : i32
      %sub3A_777 = arith.subi %div3A_756, %sub3A_776 : i32
      %select_n3A_778 = arith.select %and3A_775, %sub3A_777, %div3A_756 : i32
      %jit3A_779 = arith.constant 2 : i32
      %eq3A_780 = arith.constant 0 : i32
      %eq3A_781 = arith.cmpi eq, %jit3A_779, %eq3A_780 : i32
      %jit3A_782 = arith.constant 1 : i32
      %select_n3A_783 = arith.select %eq3A_781, %jit3A_782, %jit3A_779 : i32
      %rem3A_784 = arith.remsi %sub3A_754, %select_n3A_783 : i32
      %ne3A_785 = arith.constant 0 : i32
      %ne3A_786 = arith.cmpi ne, %rem3A_784, %ne3A_785 : i32
      %lt3A_787 = arith.constant 0 : i32
      %lt3A_788 = arith.cmpi slt, %rem3A_784, %lt3A_787 : i32
      %lt3A_789 = arith.constant 0 : i32
      %lt3A_790 = arith.cmpi slt, %select_n3A_783, %lt3A_789 : i32
      %ne3A_791 = arith.xori %lt3A_788, %lt3A_790 : i1
      %and3A_792 = arith.andi %ne3A_791, %ne3A_786 : i1
      %add3A_793 = arith.addi %rem3A_784, %select_n3A_783 : i32
      %select_n3A_794 = arith.select %and3A_792, %add3A_793, %rem3A_784 : i32
      %mul3A_795 = arith.constant 64 : i32
      %mul3A_796 = arith.muli %select_n3A_794, %mul3A_795 : i32
      %add3A_797 = arith.addi %mul3A_2, %mul3A_796 : i32
      %dma_wait3A_798 = arith.constant 0 : i32
      %dma_wait3A_799 = tpu.memref_slice %arg4[%select_n3A_778, %add3A_797, %dma_wait3A_798] : memref<50x4096x128xf32, #tpu.memory_space<hbm>> -> memref<1x64x128xf32, #tpu.memory_space<hbm>>
      %dma_wait3A_800 = tpu.memref_squeeze %dma_wait3A_799 : memref<1x64x128xf32, #tpu.memory_space<hbm>> -> memref<64x128xf32, #tpu.memory_space<hbm>>
      %dma_wait3A_801 = arith.constant 0 : i32
      %dma_wait3A_802 = tpu.memref_slice %arg4[%select_n3A_778, %add3A_797, %dma_wait3A_801] : memref<50x4096x128xf32, #tpu.memory_space<hbm>> -> memref<1x64x128xf32, #tpu.memory_space<hbm>>
      %dma_wait3A_803 = tpu.memref_squeeze %dma_wait3A_802 : memref<1x64x128xf32, #tpu.memory_space<hbm>> -> memref<64x128xf32, #tpu.memory_space<hbm>>
      tpu.wait_dma2 semaphore(%arg14 : memref<!tpu.dma_semaphore, #tpu.memory_space<semaphore_mem>>) src(%arg6 : memref<64x128xf32, #tpu.memory_space<vmem>>) dst(%dma_wait3A_803 : memref<64x128xf32, #tpu.memory_space<hbm>>)
      %add3A_804 = arith.constant 4 : i32
      %add3A_805 = arith.addi %add3A_656, %add3A_804 : i32
      %sub3A_806 = arith.constant 2 : i32
      %sub3A_807 = arith.subi %add3A_805, %sub3A_806 : i32
      %jit3A_808 = arith.constant 2 : i32
      %div3A_809 = arith.divsi %sub3A_807, %jit3A_808 : i32
      %sign3A_810 = arith.constant 0 : i32
      %sign3A_811 = arith.cmpi sgt, %sub3A_807, %sign3A_810 : i32
      %sign3A_812 = arith.extui %sign3A_811 : i1 to i32
      %sign3A_813 = arith.constant 0 : i32
      %sign3A_814 = arith.cmpi slt, %sub3A_807, %sign3A_813 : i32
      %sign3A_815 = arith.extui %sign3A_814 : i1 to i32
      %sign3A_816 = arith.subi %sign3A_812, %sign3A_815 : i32
      %sign3A_817 = arith.constant 0 : i32
      %sign3A_818 = arith.cmpi sgt, %jit3A_808, %sign3A_817 : i32
      %sign3A_819 = arith.extui %sign3A_818 : i1 to i32
      %sign3A_820 = arith.constant 0 : i32
      %sign3A_821 = arith.cmpi slt, %jit3A_808, %sign3A_820 : i32
      %sign3A_822 = arith.extui %sign3A_821 : i1 to i32
      %sign3A_823 = arith.subi %sign3A_819, %sign3A_822 : i32
      %ne3A_824 = arith.cmpi ne, %sign3A_816, %sign3A_823 : i32
      %rem3A_825 = arith.remsi %sub3A_807, %jit3A_808 : i32
      %ne3A_826 = arith.constant 0 : i32
      %ne3A_827 = arith.cmpi ne, %rem3A_825, %ne3A_826 : i32
      %and3A_828 = arith.andi %ne3A_824, %ne3A_827 : i1
      %sub3A_829 = arith.constant 1 : i32
      %sub3A_830 = arith.subi %div3A_809, %sub3A_829 : i32
      %select_n3A_831 = arith.select %and3A_828, %sub3A_830, %div3A_809 : i32
      %jit3A_832 = arith.constant 2 : i32
      %eq3A_833 = arith.constant 0 : i32
      %eq3A_834 = arith.cmpi eq, %jit3A_832, %eq3A_833 : i32
      %jit3A_835 = arith.constant 1 : i32
      %select_n3A_836 = arith.select %eq3A_834, %jit3A_835, %jit3A_832 : i32
      %rem3A_837 = arith.remsi %sub3A_807, %select_n3A_836 : i32
      %ne3A_838 = arith.constant 0 : i32
      %ne3A_839 = arith.cmpi ne, %rem3A_837, %ne3A_838 : i32
      %lt3A_840 = arith.constant 0 : i32
      %lt3A_841 = arith.cmpi slt, %rem3A_837, %lt3A_840 : i32
      %lt3A_842 = arith.constant 0 : i32
      %lt3A_843 = arith.cmpi slt, %select_n3A_836, %lt3A_842 : i32
      %ne3A_844 = arith.xori %lt3A_841, %lt3A_843 : i1
      %and3A_845 = arith.andi %ne3A_844, %ne3A_839 : i1
      %add3A_846 = arith.addi %rem3A_837, %select_n3A_836 : i32
      %select_n3A_847 = arith.select %and3A_845, %add3A_846, %rem3A_837 : i32
      %mul3A_848 = arith.constant 64 : i32
      %mul3A_849 = arith.muli %select_n3A_847, %mul3A_848 : i32
      %dma_start3A_850 = tpu.memref_slice %arg5[%select_n3A_831, %mul3A_849] : memref<50x128xi32, #tpu.memory_space<vmem>> -> memref<1x64xi32, #tpu.memory_space<vmem>>
      %dma_start3A_851 = tpu.memref_squeeze %dma_start3A_850 : memref<1x64xi32, #tpu.memory_space<vmem>> -> memref<64xi32, #tpu.memory_space<vmem>>
      %dma_start3A_852 = arith.constant 0 : i32
      %dma_start3A_853 = arith.constant 0 : i32
      %dma_start3A_854 = tpu.memref_slice %arg3[%dma_start3A_852, %dma_start3A_853] : memref<100000x128xf32, #tpu.memory_space<hbm>> -> memref<100000x128xf32, #tpu.memory_space<hbm>>
      tpu.enqueue_indirect_dma source(%dma_start3A_854 : memref<100000x128xf32, #tpu.memory_space<hbm>>) target(%arg6 : memref<64x128xf32, #tpu.memory_space<vmem>>) offsets(%dma_start3A_851 : memref<64xi32, #tpu.memory_space<vmem>>) semaphore(%arg10 : memref<!tpu.dma_semaphore, #tpu.memory_space<semaphore_mem>>)
      %add3A_855 = arith.constant 3 : i32
      %add3A_856 = arith.addi %mul3A_264, %add3A_855 : i32
      %jit3A_857 = arith.constant 2 : i32
      %div3A_858 = arith.divsi %add3A_856, %jit3A_857 : i32
      %sign3A_859 = arith.constant 0 : i32
      %sign3A_860 = arith.cmpi sgt, %add3A_856, %sign3A_859 : i32
      %sign3A_861 = arith.extui %sign3A_860 : i1 to i32
      %sign3A_862 = arith.constant 0 : i32
      %sign3A_863 = arith.cmpi slt, %add3A_856, %sign3A_862 : i32
      %sign3A_864 = arith.extui %sign3A_863 : i1 to i32
      %sign3A_865 = arith.subi %sign3A_861, %sign3A_864 : i32
      %sign3A_866 = arith.constant 0 : i32
      %sign3A_867 = arith.cmpi sgt, %jit3A_857, %sign3A_866 : i32
      %sign3A_868 = arith.extui %sign3A_867 : i1 to i32
      %sign3A_869 = arith.constant 0 : i32
      %sign3A_870 = arith.cmpi slt, %jit3A_857, %sign3A_869 : i32
      %sign3A_871 = arith.extui %sign3A_870 : i1 to i32
      %sign3A_872 = arith.subi %sign3A_868, %sign3A_871 : i32
      %ne3A_873 = arith.cmpi ne, %sign3A_865, %sign3A_872 : i32
      %rem3A_874 = arith.remsi %add3A_856, %jit3A_857 : i32
      %ne3A_875 = arith.constant 0 : i32
      %ne3A_876 = arith.cmpi ne, %rem3A_874, %ne3A_875 : i32
      %and3A_877 = arith.andi %ne3A_873, %ne3A_876 : i1
      %sub3A_878 = arith.constant 1 : i32
      %sub3A_879 = arith.subi %div3A_858, %sub3A_878 : i32
      %select_n3A_880 = arith.select %and3A_877, %sub3A_879, %div3A_858 : i32
      %jit3A_881 = arith.constant 2 : i32
      %eq3A_882 = arith.constant 0 : i32
      %eq3A_883 = arith.cmpi eq, %jit3A_881, %eq3A_882 : i32
      %jit3A_884 = arith.constant 1 : i32
      %select_n3A_885 = arith.select %eq3A_883, %jit3A_884, %jit3A_881 : i32
      %rem3A_886 = arith.remsi %add3A_856, %select_n3A_885 : i32
      %ne3A_887 = arith.constant 0 : i32
      %ne3A_888 = arith.cmpi ne, %rem3A_886, %ne3A_887 : i32
      %lt3A_889 = arith.constant 0 : i32
      %lt3A_890 = arith.cmpi slt, %rem3A_886, %lt3A_889 : i32
      %lt3A_891 = arith.constant 0 : i32
      %lt3A_892 = arith.cmpi slt, %select_n3A_885, %lt3A_891 : i32
      %ne3A_893 = arith.xori %lt3A_890, %lt3A_892 : i1
      %and3A_894 = arith.andi %ne3A_893, %ne3A_888 : i1
      %add3A_895 = arith.addi %rem3A_886, %select_n3A_885 : i32
      %select_n3A_896 = arith.select %and3A_894, %add3A_895, %rem3A_886 : i32
      %mul3A_897 = arith.constant 64 : i32
      %mul3A_898 = arith.muli %select_n3A_896, %mul3A_897 : i32
      %dma_wait3A_899 = tpu.memref_slice %arg5[%select_n3A_880, %mul3A_898] : memref<50x128xi32, #tpu.memory_space<vmem>> -> memref<1x64xi32, #tpu.memory_space<vmem>>
      %dma_wait3A_900 = tpu.memref_squeeze %dma_wait3A_899 : memref<1x64xi32, #tpu.memory_space<vmem>> -> memref<64xi32, #tpu.memory_space<vmem>>
      %dma_wait3A_901 = arith.constant 0 : i32
      %dma_wait3A_902 = arith.constant 0 : i32
      %dma_wait3A_903 = tpu.memref_slice %arg3[%dma_wait3A_901, %dma_wait3A_902] : memref<100000x128xf32, #tpu.memory_space<hbm>> -> memref<100000x128xf32, #tpu.memory_space<hbm>>
      tpu.wait_indirect_dma semaphore(%arg13 : memref<!tpu.dma_semaphore, #tpu.memory_space<semaphore_mem>>) src(%dma_wait3A_903 : memref<100000x128xf32, #tpu.memory_space<hbm>>) dst(%arg9 : memref<64x128xf32, #tpu.memory_space<vmem>>)
      %jit3A_904 = arith.constant 2 : i32
      %div3A_905 = arith.divsi %add3A_856, %jit3A_904 : i32
      %sign3A_906 = arith.constant 0 : i32
      %sign3A_907 = arith.cmpi sgt, %add3A_856, %sign3A_906 : i32
      %sign3A_908 = arith.extui %sign3A_907 : i1 to i32
      %sign3A_909 = arith.constant 0 : i32
      %sign3A_910 = arith.cmpi slt, %add3A_856, %sign3A_909 : i32
      %sign3A_911 = arith.extui %sign3A_910 : i1 to i32
      %sign3A_912 = arith.subi %sign3A_908, %sign3A_911 : i32
      %sign3A_913 = arith.constant 0 : i32
      %sign3A_914 = arith.cmpi sgt, %jit3A_904, %sign3A_913 : i32
      %sign3A_915 = arith.extui %sign3A_914 : i1 to i32
      %sign3A_916 = arith.constant 0 : i32
      %sign3A_917 = arith.cmpi slt, %jit3A_904, %sign3A_916 : i32
      %sign3A_918 = arith.extui %sign3A_917 : i1 to i32
      %sign3A_919 = arith.subi %sign3A_915, %sign3A_918 : i32
      %ne3A_920 = arith.cmpi ne, %sign3A_912, %sign3A_919 : i32
      %rem3A_921 = arith.remsi %add3A_856, %jit3A_904 : i32
      %ne3A_922 = arith.constant 0 : i32
      %ne3A_923 = arith.cmpi ne, %rem3A_921, %ne3A_922 : i32
      %and3A_924 = arith.andi %ne3A_920, %ne3A_923 : i1
      %sub3A_925 = arith.constant 1 : i32
      %sub3A_926 = arith.subi %div3A_905, %sub3A_925 : i32
      %select_n3A_927 = arith.select %and3A_924, %sub3A_926, %div3A_905 : i32
      %jit3A_928 = arith.constant 2 : i32
      %eq3A_929 = arith.constant 0 : i32
      %eq3A_930 = arith.cmpi eq, %jit3A_928, %eq3A_929 : i32
      %jit3A_931 = arith.constant 1 : i32
      %select_n3A_932 = arith.select %eq3A_930, %jit3A_931, %jit3A_928 : i32
      %rem3A_933 = arith.remsi %add3A_856, %select_n3A_932 : i32
      %ne3A_934 = arith.constant 0 : i32
      %ne3A_935 = arith.cmpi ne, %rem3A_933, %ne3A_934 : i32
      %lt3A_936 = arith.constant 0 : i32
      %lt3A_937 = arith.cmpi slt, %rem3A_933, %lt3A_936 : i32
      %lt3A_938 = arith.constant 0 : i32
      %lt3A_939 = arith.cmpi slt, %select_n3A_932, %lt3A_938 : i32
      %ne3A_940 = arith.xori %lt3A_937, %lt3A_939 : i1
      %and3A_941 = arith.andi %ne3A_940, %ne3A_935 : i1
      %add3A_942 = arith.addi %rem3A_933, %select_n3A_932 : i32
      %select_n3A_943 = arith.select %and3A_941, %add3A_942, %rem3A_933 : i32
      %mul3A_944 = arith.constant 64 : i32
      %mul3A_945 = arith.muli %select_n3A_943, %mul3A_944 : i32
      %add3A_946 = arith.addi %mul3A_2, %mul3A_945 : i32
      %dma_start3A_947 = arith.constant 0 : i32
      %dma_start3A_948 = tpu.memref_slice %arg4[%select_n3A_927, %add3A_946, %dma_start3A_947] : memref<50x4096x128xf32, #tpu.memory_space<hbm>> -> memref<1x64x128xf32, #tpu.memory_space<hbm>>
      %dma_start3A_949 = tpu.memref_squeeze %dma_start3A_948 : memref<1x64x128xf32, #tpu.memory_space<hbm>> -> memref<64x128xf32, #tpu.memory_space<hbm>>
      %dma_start3A_950 = arith.constant 0 : i32
      %dma_start3A_951 = tpu.memref_slice %arg4[%select_n3A_927, %add3A_946, %dma_start3A_950] : memref<50x4096x128xf32, #tpu.memory_space<hbm>> -> memref<1x64x128xf32, #tpu.memory_space<hbm>>
      %dma_start3A_952 = tpu.memref_squeeze %dma_start3A_951 : memref<1x64x128xf32, #tpu.memory_space<hbm>> -> memref<64x128xf32, #tpu.memory_space<hbm>>
      tpu.enqueue_dma source(%arg9 : memref<64x128xf32, #tpu.memory_space<vmem>>) target(%dma_start3A_952 : memref<64x128xf32, #tpu.memory_space<hbm>>) target_semaphore(%arg17 : memref<!tpu.dma_semaphore, #tpu.memory_space<semaphore_mem>>)
      %sub3A_953 = arith.constant 2 : i32
      %sub3A_954 = arith.subi %add3A_856, %sub3A_953 : i32
      %jit3A_955 = arith.constant 2 : i32
      %div3A_956 = arith.divsi %sub3A_954, %jit3A_955 : i32
      %sign3A_957 = arith.constant 0 : i32
      %sign3A_958 = arith.cmpi sgt, %sub3A_954, %sign3A_957 : i32
      %sign3A_959 = arith.extui %sign3A_958 : i1 to i32
      %sign3A_960 = arith.constant 0 : i32
      %sign3A_961 = arith.cmpi slt, %sub3A_954, %sign3A_960 : i32
      %sign3A_962 = arith.extui %sign3A_961 : i1 to i32
      %sign3A_963 = arith.subi %sign3A_959, %sign3A_962 : i32
      %sign3A_964 = arith.constant 0 : i32
      %sign3A_965 = arith.cmpi sgt, %jit3A_955, %sign3A_964 : i32
      %sign3A_966 = arith.extui %sign3A_965 : i1 to i32
      %sign3A_967 = arith.constant 0 : i32
      %sign3A_968 = arith.cmpi slt, %jit3A_955, %sign3A_967 : i32
      %sign3A_969 = arith.extui %sign3A_968 : i1 to i32
      %sign3A_970 = arith.subi %sign3A_966, %sign3A_969 : i32
      %ne3A_971 = arith.cmpi ne, %sign3A_963, %sign3A_970 : i32
      %rem3A_972 = arith.remsi %sub3A_954, %jit3A_955 : i32
      %ne3A_973 = arith.constant 0 : i32
      %ne3A_974 = arith.cmpi ne, %rem3A_972, %ne3A_973 : i32
      %and3A_975 = arith.andi %ne3A_971, %ne3A_974 : i1
      %sub3A_976 = arith.constant 1 : i32
      %sub3A_977 = arith.subi %div3A_956, %sub3A_976 : i32
      %select_n3A_978 = arith.select %and3A_975, %sub3A_977, %div3A_956 : i32
      %jit3A_979 = arith.constant 2 : i32
      %eq3A_980 = arith.constant 0 : i32
      %eq3A_981 = arith.cmpi eq, %jit3A_979, %eq3A_980 : i32
      %jit3A_982 = arith.constant 1 : i32
      %select_n3A_983 = arith.select %eq3A_981, %jit3A_982, %jit3A_979 : i32
      %rem3A_984 = arith.remsi %sub3A_954, %select_n3A_983 : i32
      %ne3A_985 = arith.constant 0 : i32
      %ne3A_986 = arith.cmpi ne, %rem3A_984, %ne3A_985 : i32
      %lt3A_987 = arith.constant 0 : i32
      %lt3A_988 = arith.cmpi slt, %rem3A_984, %lt3A_987 : i32
      %lt3A_989 = arith.constant 0 : i32
      %lt3A_990 = arith.cmpi slt, %select_n3A_983, %lt3A_989 : i32
      %ne3A_991 = arith.xori %lt3A_988, %lt3A_990 : i1
      %and3A_992 = arith.andi %ne3A_991, %ne3A_986 : i1
      %add3A_993 = arith.addi %rem3A_984, %select_n3A_983 : i32
      %select_n3A_994 = arith.select %and3A_992, %add3A_993, %rem3A_984 : i32
      %mul3A_995 = arith.constant 64 : i32
      %mul3A_996 = arith.muli %select_n3A_994, %mul3A_995 : i32
      %add3A_997 = arith.addi %mul3A_2, %mul3A_996 : i32
      %dma_wait3A_998 = arith.constant 0 : i32
      %dma_wait3A_999 = tpu.memref_slice %arg4[%select_n3A_978, %add3A_997, %dma_wait3A_998] : memref<50x4096x128xf32, #tpu.memory_space<hbm>> -> memref<1x64x128xf32, #tpu.memory_space<hbm>>
      %dma_wait3A_1000 = tpu.memref_squeeze %dma_wait3A_999 : memref<1x64x128xf32, #tpu.memory_space<hbm>> -> memref<64x128xf32, #tpu.memory_space<hbm>>
      %dma_wait3A_1001 = arith.constant 0 : i32
      %dma_wait3A_1002 = tpu.memref_slice %arg4[%select_n3A_978, %add3A_997, %dma_wait3A_1001] : memref<50x4096x128xf32, #tpu.memory_space<hbm>> -> memref<1x64x128xf32, #tpu.memory_space<hbm>>
      %dma_wait3A_1003 = tpu.memref_squeeze %dma_wait3A_1002 : memref<1x64x128xf32, #tpu.memory_space<hbm>> -> memref<64x128xf32, #tpu.memory_space<hbm>>
      tpu.wait_dma2 semaphore(%arg15 : memref<!tpu.dma_semaphore, #tpu.memory_space<semaphore_mem>>) src(%arg7 : memref<64x128xf32, #tpu.memory_space<vmem>>) dst(%dma_wait3A_1003 : memref<64x128xf32, #tpu.memory_space<hbm>>)
      %add3A_1004 = arith.constant 4 : i32
      %add3A_1005 = arith.addi %add3A_856, %add3A_1004 : i32
      %sub3A_1006 = arith.constant 2 : i32
      %sub3A_1007 = arith.subi %add3A_1005, %sub3A_1006 : i32
      %jit3A_1008 = arith.constant 2 : i32
      %div3A_1009 = arith.divsi %sub3A_1007, %jit3A_1008 : i32
      %sign3A_1010 = arith.constant 0 : i32
      %sign3A_1011 = arith.cmpi sgt, %sub3A_1007, %sign3A_1010 : i32
      %sign3A_1012 = arith.extui %sign3A_1011 : i1 to i32
      %sign3A_1013 = arith.constant 0 : i32
      %sign3A_1014 = arith.cmpi slt, %sub3A_1007, %sign3A_1013 : i32
      %sign3A_1015 = arith.extui %sign3A_1014 : i1 to i32
      %sign3A_1016 = arith.subi %sign3A_1012, %sign3A_1015 : i32
      %sign3A_1017 = arith.constant 0 : i32
      %sign3A_1018 = arith.cmpi sgt, %jit3A_1008, %sign3A_1017 : i32
      %sign3A_1019 = arith.extui %sign3A_1018 : i1 to i32
      %sign3A_1020 = arith.constant 0 : i32
      %sign3A_1021 = arith.cmpi slt, %jit3A_1008, %sign3A_1020 : i32
      %sign3A_1022 = arith.extui %sign3A_1021 : i1 to i32
      %sign3A_1023 = arith.subi %sign3A_1019, %sign3A_1022 : i32
      %ne3A_1024 = arith.cmpi ne, %sign3A_1016, %sign3A_1023 : i32
      %rem3A_1025 = arith.remsi %sub3A_1007, %jit3A_1008 : i32
      %ne3A_1026 = arith.constant 0 : i32
      %ne3A_1027 = arith.cmpi ne, %rem3A_1025, %ne3A_1026 : i32
      %and3A_1028 = arith.andi %ne3A_1024, %ne3A_1027 : i1
      %sub3A_1029 = arith.constant 1 : i32
      %sub3A_1030 = arith.subi %div3A_1009, %sub3A_1029 : i32
      %select_n3A_1031 = arith.select %and3A_1028, %sub3A_1030, %div3A_1009 : i32
      %jit3A_1032 = arith.constant 2 : i32
      %eq3A_1033 = arith.constant 0 : i32
      %eq3A_1034 = arith.cmpi eq, %jit3A_1032, %eq3A_1033 : i32
      %jit3A_1035 = arith.constant 1 : i32
      %select_n3A_1036 = arith.select %eq3A_1034, %jit3A_1035, %jit3A_1032 : i32
      %rem3A_1037 = arith.remsi %sub3A_1007, %select_n3A_1036 : i32
      %ne3A_1038 = arith.constant 0 : i32
      %ne3A_1039 = arith.cmpi ne, %rem3A_1037, %ne3A_1038 : i32
      %lt3A_1040 = arith.constant 0 : i32
      %lt3A_1041 = arith.cmpi slt, %rem3A_1037, %lt3A_1040 : i32
      %lt3A_1042 = arith.constant 0 : i32
      %lt3A_1043 = arith.cmpi slt, %select_n3A_1036, %lt3A_1042 : i32
      %ne3A_1044 = arith.xori %lt3A_1041, %lt3A_1043 : i1
      %and3A_1045 = arith.andi %ne3A_1044, %ne3A_1039 : i1
      %add3A_1046 = arith.addi %rem3A_1037, %select_n3A_1036 : i32
      %select_n3A_1047 = arith.select %and3A_1045, %add3A_1046, %rem3A_1037 : i32
      %mul3A_1048 = arith.constant 64 : i32
      %mul3A_1049 = arith.muli %select_n3A_1047, %mul3A_1048 : i32
      %dma_start3A_1050 = tpu.memref_slice %arg5[%select_n3A_1031, %mul3A_1049] : memref<50x128xi32, #tpu.memory_space<vmem>> -> memref<1x64xi32, #tpu.memory_space<vmem>>
      %dma_start3A_1051 = tpu.memref_squeeze %dma_start3A_1050 : memref<1x64xi32, #tpu.memory_space<vmem>> -> memref<64xi32, #tpu.memory_space<vmem>>
      %dma_start3A_1052 = arith.constant 0 : i32
      %dma_start3A_1053 = arith.constant 0 : i32
      %dma_start3A_1054 = tpu.memref_slice %arg3[%dma_start3A_1052, %dma_start3A_1053] : memref<100000x128xf32, #tpu.memory_space<hbm>> -> memref<100000x128xf32, #tpu.memory_space<hbm>>
      tpu.enqueue_indirect_dma source(%dma_start3A_1054 : memref<100000x128xf32, #tpu.memory_space<hbm>>) target(%arg7 : memref<64x128xf32, #tpu.memory_space<vmem>>) offsets(%dma_start3A_1051 : memref<64xi32, #tpu.memory_space<vmem>>) semaphore(%arg11 : memref<!tpu.dma_semaphore, #tpu.memory_space<semaphore_mem>>)
    }
    %scan3A_129 = arith.constant 23 : i32
    %dma_wait3A_130 = arith.constant 48 : i32
    %dma_wait3A_131 = arith.constant 0 : i32
    %dma_wait3A_132 = tpu.memref_slice %arg5[%dma_wait3A_130, %dma_wait3A_131] : memref<50x128xi32, #tpu.memory_space<vmem>> -> memref<1x64xi32, #tpu.memory_space<vmem>>
    %dma_wait3A_133 = tpu.memref_squeeze %dma_wait3A_132 : memref<1x64xi32, #tpu.memory_space<vmem>> -> memref<64xi32, #tpu.memory_space<vmem>>
    %dma_wait3A_134 = arith.constant 0 : i32
    %dma_wait3A_135 = arith.constant 0 : i32
    %dma_wait3A_136 = tpu.memref_slice %arg3[%dma_wait3A_134, %dma_wait3A_135] : memref<100000x128xf32, #tpu.memory_space<hbm>> -> memref<100000x128xf32, #tpu.memory_space<hbm>>
    tpu.wait_indirect_dma semaphore(%arg10 : memref<!tpu.dma_semaphore, #tpu.memory_space<semaphore_mem>>) src(%dma_wait3A_136 : memref<100000x128xf32, #tpu.memory_space<hbm>>) dst(%arg6 : memref<64x128xf32, #tpu.memory_space<vmem>>)
    %add3A_137 = arith.constant 0 : i32
    %add3A_138 = arith.addi %mul3A_2, %add3A_137 : i32
    %dma_start3A_139 = arith.constant 48 : i32
    %dma_start3A_140 = arith.constant 0 : i32
    %dma_start3A_141 = tpu.memref_slice %arg4[%dma_start3A_139, %add3A_138, %dma_start3A_140] : memref<50x4096x128xf32, #tpu.memory_space<hbm>> -> memref<1x64x128xf32, #tpu.memory_space<hbm>>
    %dma_start3A_142 = tpu.memref_squeeze %dma_start3A_141 : memref<1x64x128xf32, #tpu.memory_space<hbm>> -> memref<64x128xf32, #tpu.memory_space<hbm>>
    %dma_start3A_143 = arith.constant 0 : i32
    %dma_start3A_144 = tpu.memref_slice %arg4[%dma_start3A_139, %add3A_138, %dma_start3A_143] : memref<50x4096x128xf32, #tpu.memory_space<hbm>> -> memref<1x64x128xf32, #tpu.memory_space<hbm>>
    %dma_start3A_145 = tpu.memref_squeeze %dma_start3A_144 : memref<1x64x128xf32, #tpu.memory_space<hbm>> -> memref<64x128xf32, #tpu.memory_space<hbm>>
    tpu.enqueue_dma source(%arg6 : memref<64x128xf32, #tpu.memory_space<vmem>>) target(%dma_start3A_145 : memref<64x128xf32, #tpu.memory_space<hbm>>) target_semaphore(%arg14 : memref<!tpu.dma_semaphore, #tpu.memory_space<semaphore_mem>>)
    %add3A_146 = arith.constant 0 : i32
    %add3A_147 = arith.addi %mul3A_2, %add3A_146 : i32
    %dma_wait3A_148 = arith.constant 47 : i32
    %dma_wait3A_149 = arith.constant 0 : i32
    %dma_wait3A_150 = tpu.memref_slice %arg4[%dma_wait3A_148, %add3A_147, %dma_wait3A_149] : memref<50x4096x128xf32, #tpu.memory_space<hbm>> -> memref<1x64x128xf32, #tpu.memory_space<hbm>>
    %dma_wait3A_151 = tpu.memref_squeeze %dma_wait3A_150 : memref<1x64x128xf32, #tpu.memory_space<hbm>> -> memref<64x128xf32, #tpu.memory_space<hbm>>
    %dma_wait3A_152 = arith.constant 0 : i32
    %dma_wait3A_153 = tpu.memref_slice %arg4[%dma_wait3A_148, %add3A_147, %dma_wait3A_152] : memref<50x4096x128xf32, #tpu.memory_space<hbm>> -> memref<1x64x128xf32, #tpu.memory_space<hbm>>
    %dma_wait3A_154 = tpu.memref_squeeze %dma_wait3A_153 : memref<1x64x128xf32, #tpu.memory_space<hbm>> -> memref<64x128xf32, #tpu.memory_space<hbm>>
    tpu.wait_dma2 semaphore(%arg16 : memref<!tpu.dma_semaphore, #tpu.memory_space<semaphore_mem>>) src(%arg8 : memref<64x128xf32, #tpu.memory_space<vmem>>) dst(%dma_wait3A_154 : memref<64x128xf32, #tpu.memory_space<hbm>>)
    %dma_start3A_155 = arith.constant 49 : i32
    %dma_start3A_156 = arith.constant 0 : i32
    %dma_start3A_157 = tpu.memref_slice %arg5[%dma_start3A_155, %dma_start3A_156] : memref<50x128xi32, #tpu.memory_space<vmem>> -> memref<1x64xi32, #tpu.memory_space<vmem>>
    %dma_start3A_158 = tpu.memref_squeeze %dma_start3A_157 : memref<1x64xi32, #tpu.memory_space<vmem>> -> memref<64xi32, #tpu.memory_space<vmem>>
    %dma_start3A_159 = arith.constant 0 : i32
    %dma_start3A_160 = arith.constant 0 : i32
    %dma_start3A_161 = tpu.memref_slice %arg3[%dma_start3A_159, %dma_start3A_160] : memref<100000x128xf32, #tpu.memory_space<hbm>> -> memref<100000x128xf32, #tpu.memory_space<hbm>>
    tpu.enqueue_indirect_dma source(%dma_start3A_161 : memref<100000x128xf32, #tpu.memory_space<hbm>>) target(%arg8 : memref<64x128xf32, #tpu.memory_space<vmem>>) offsets(%dma_start3A_158 : memref<64xi32, #tpu.memory_space<vmem>>) semaphore(%arg12 : memref<!tpu.dma_semaphore, #tpu.memory_space<semaphore_mem>>)
    %dma_wait3A_162 = arith.constant 48 : i32
    %dma_wait3A_163 = arith.constant 64 : i32
    %dma_wait3A_164 = tpu.memref_slice %arg5[%dma_wait3A_162, %dma_wait3A_163] : memref<50x128xi32, #tpu.memory_space<vmem>> -> memref<1x64xi32, #tpu.memory_space<vmem>>
    %dma_wait3A_165 = tpu.memref_squeeze %dma_wait3A_164 : memref<1x64xi32, #tpu.memory_space<vmem>> -> memref<64xi32, #tpu.memory_space<vmem>>
    %dma_wait3A_166 = arith.constant 0 : i32
    %dma_wait3A_167 = arith.constant 0 : i32
    %dma_wait3A_168 = tpu.memref_slice %arg3[%dma_wait3A_166, %dma_wait3A_167] : memref<100000x128xf32, #tpu.memory_space<hbm>> -> memref<100000x128xf32, #tpu.memory_space<hbm>>
    tpu.wait_indirect_dma semaphore(%arg11 : memref<!tpu.dma_semaphore, #tpu.memory_space<semaphore_mem>>) src(%dma_wait3A_168 : memref<100000x128xf32, #tpu.memory_space<hbm>>) dst(%arg7 : memref<64x128xf32, #tpu.memory_space<vmem>>)
    %add3A_169 = arith.constant 64 : i32
    %add3A_170 = arith.addi %mul3A_2, %add3A_169 : i32
    %dma_start3A_171 = arith.constant 48 : i32
    %dma_start3A_172 = arith.constant 0 : i32
    %dma_start3A_173 = tpu.memref_slice %arg4[%dma_start3A_171, %add3A_170, %dma_start3A_172] : memref<50x4096x128xf32, #tpu.memory_space<hbm>> -> memref<1x64x128xf32, #tpu.memory_space<hbm>>
    %dma_start3A_174 = tpu.memref_squeeze %dma_start3A_173 : memref<1x64x128xf32, #tpu.memory_space<hbm>> -> memref<64x128xf32, #tpu.memory_space<hbm>>
    %dma_start3A_175 = arith.constant 0 : i32
    %dma_start3A_176 = tpu.memref_slice %arg4[%dma_start3A_171, %add3A_170, %dma_start3A_175] : memref<50x4096x128xf32, #tpu.memory_space<hbm>> -> memref<1x64x128xf32, #tpu.memory_space<hbm>>
    %dma_start3A_177 = tpu.memref_squeeze %dma_start3A_176 : memref<1x64x128xf32, #tpu.memory_space<hbm>> -> memref<64x128xf32, #tpu.memory_space<hbm>>
    tpu.enqueue_dma source(%arg7 : memref<64x128xf32, #tpu.memory_space<vmem>>) target(%dma_start3A_177 : memref<64x128xf32, #tpu.memory_space<hbm>>) target_semaphore(%arg15 : memref<!tpu.dma_semaphore, #tpu.memory_space<semaphore_mem>>)
    %add3A_178 = arith.constant 64 : i32
    %add3A_179 = arith.addi %mul3A_2, %add3A_178 : i32
    %dma_wait3A_180 = arith.constant 47 : i32
    %dma_wait3A_181 = arith.constant 0 : i32
    %dma_wait3A_182 = tpu.memref_slice %arg4[%dma_wait3A_180, %add3A_179, %dma_wait3A_181] : memref<50x4096x128xf32, #tpu.memory_space<hbm>> -> memref<1x64x128xf32, #tpu.memory_space<hbm>>
    %dma_wait3A_183 = tpu.memref_squeeze %dma_wait3A_182 : memref<1x64x128xf32, #tpu.memory_space<hbm>> -> memref<64x128xf32, #tpu.memory_space<hbm>>
    %dma_wait3A_184 = arith.constant 0 : i32
    %dma_wait3A_185 = tpu.memref_slice %arg4[%dma_wait3A_180, %add3A_179, %dma_wait3A_184] : memref<50x4096x128xf32, #tpu.memory_space<hbm>> -> memref<1x64x128xf32, #tpu.memory_space<hbm>>
    %dma_wait3A_186 = tpu.memref_squeeze %dma_wait3A_185 : memref<1x64x128xf32, #tpu.memory_space<hbm>> -> memref<64x128xf32, #tpu.memory_space<hbm>>
    tpu.wait_dma2 semaphore(%arg17 : memref<!tpu.dma_semaphore, #tpu.memory_space<semaphore_mem>>) src(%arg9 : memref<64x128xf32, #tpu.memory_space<vmem>>) dst(%dma_wait3A_186 : memref<64x128xf32, #tpu.memory_space<hbm>>)
    %dma_start3A_187 = arith.constant 49 : i32
    %dma_start3A_188 = arith.constant 64 : i32
    %dma_start3A_189 = tpu.memref_slice %arg5[%dma_start3A_187, %dma_start3A_188] : memref<50x128xi32, #tpu.memory_space<vmem>> -> memref<1x64xi32, #tpu.memory_space<vmem>>
    %dma_start3A_190 = tpu.memref_squeeze %dma_start3A_189 : memref<1x64xi32, #tpu.memory_space<vmem>> -> memref<64xi32, #tpu.memory_space<vmem>>
    %dma_start3A_191 = arith.constant 0 : i32
    %dma_start3A_192 = arith.constant 0 : i32
    %dma_start3A_193 = tpu.memref_slice %arg3[%dma_start3A_191, %dma_start3A_192] : memref<100000x128xf32, #tpu.memory_space<hbm>> -> memref<100000x128xf32, #tpu.memory_space<hbm>>
    tpu.enqueue_indirect_dma source(%dma_start3A_193 : memref<100000x128xf32, #tpu.memory_space<hbm>>) target(%arg9 : memref<64x128xf32, #tpu.memory_space<vmem>>) offsets(%dma_start3A_190 : memref<64xi32, #tpu.memory_space<vmem>>) semaphore(%arg13 : memref<!tpu.dma_semaphore, #tpu.memory_space<semaphore_mem>>)
    %dma_wait3A_194 = arith.constant 49 : i32
    %dma_wait3A_195 = arith.constant 0 : i32
    %dma_wait3A_196 = tpu.memref_slice %arg5[%dma_wait3A_194, %dma_wait3A_195] : memref<50x128xi32, #tpu.memory_space<vmem>> -> memref<1x64xi32, #tpu.memory_space<vmem>>
    %dma_wait3A_197 = tpu.memref_squeeze %dma_wait3A_196 : memref<1x64xi32, #tpu.memory_space<vmem>> -> memref<64xi32, #tpu.memory_space<vmem>>
    %dma_wait3A_198 = arith.constant 0 : i32
    %dma_wait3A_199 = arith.constant 0 : i32
    %dma_wait3A_200 = tpu.memref_slice %arg3[%dma_wait3A_198, %dma_wait3A_199] : memref<100000x128xf32, #tpu.memory_space<hbm>> -> memref<100000x128xf32, #tpu.memory_space<hbm>>
    tpu.wait_indirect_dma semaphore(%arg12 : memref<!tpu.dma_semaphore, #tpu.memory_space<semaphore_mem>>) src(%dma_wait3A_200 : memref<100000x128xf32, #tpu.memory_space<hbm>>) dst(%arg8 : memref<64x128xf32, #tpu.memory_space<vmem>>)
    %add3A_201 = arith.constant 0 : i32
    %add3A_202 = arith.addi %mul3A_2, %add3A_201 : i32
    %dma_start3A_203 = arith.constant 49 : i32
    %dma_start3A_204 = arith.constant 0 : i32
    %dma_start3A_205 = tpu.memref_slice %arg4[%dma_start3A_203, %add3A_202, %dma_start3A_204] : memref<50x4096x128xf32, #tpu.memory_space<hbm>> -> memref<1x64x128xf32, #tpu.memory_space<hbm>>
    %dma_start3A_206 = tpu.memref_squeeze %dma_start3A_205 : memref<1x64x128xf32, #tpu.memory_space<hbm>> -> memref<64x128xf32, #tpu.memory_space<hbm>>
    %dma_start3A_207 = arith.constant 0 : i32
    %dma_start3A_208 = tpu.memref_slice %arg4[%dma_start3A_203, %add3A_202, %dma_start3A_207] : memref<50x4096x128xf32, #tpu.memory_space<hbm>> -> memref<1x64x128xf32, #tpu.memory_space<hbm>>
    %dma_start3A_209 = tpu.memref_squeeze %dma_start3A_208 : memref<1x64x128xf32, #tpu.memory_space<hbm>> -> memref<64x128xf32, #tpu.memory_space<hbm>>
    tpu.enqueue_dma source(%arg8 : memref<64x128xf32, #tpu.memory_space<vmem>>) target(%dma_start3A_209 : memref<64x128xf32, #tpu.memory_space<hbm>>) target_semaphore(%arg16 : memref<!tpu.dma_semaphore, #tpu.memory_space<semaphore_mem>>)
    %dma_wait3A_210 = arith.constant 49 : i32
    %dma_wait3A_211 = arith.constant 64 : i32
    %dma_wait3A_212 = tpu.memref_slice %arg5[%dma_wait3A_210, %dma_wait3A_211] : memref<50x128xi32, #tpu.memory_space<vmem>> -> memref<1x64xi32, #tpu.memory_space<vmem>>
    %dma_wait3A_213 = tpu.memref_squeeze %dma_wait3A_212 : memref<1x64xi32, #tpu.memory_space<vmem>> -> memref<64xi32, #tpu.memory_space<vmem>>
    %dma_wait3A_214 = arith.constant 0 : i32
    %dma_wait3A_215 = arith.constant 0 : i32
    %dma_wait3A_216 = tpu.memref_slice %arg3[%dma_wait3A_214, %dma_wait3A_215] : memref<100000x128xf32, #tpu.memory_space<hbm>> -> memref<100000x128xf32, #tpu.memory_space<hbm>>
    tpu.wait_indirect_dma semaphore(%arg13 : memref<!tpu.dma_semaphore, #tpu.memory_space<semaphore_mem>>) src(%dma_wait3A_216 : memref<100000x128xf32, #tpu.memory_space<hbm>>) dst(%arg9 : memref<64x128xf32, #tpu.memory_space<vmem>>)
    %add3A_217 = arith.constant 64 : i32
    %add3A_218 = arith.addi %mul3A_2, %add3A_217 : i32
    %dma_start3A_219 = arith.constant 49 : i32
    %dma_start3A_220 = arith.constant 0 : i32
    %dma_start3A_221 = tpu.memref_slice %arg4[%dma_start3A_219, %add3A_218, %dma_start3A_220] : memref<50x4096x128xf32, #tpu.memory_space<hbm>> -> memref<1x64x128xf32, #tpu.memory_space<hbm>>
    %dma_start3A_222 = tpu.memref_squeeze %dma_start3A_221 : memref<1x64x128xf32, #tpu.memory_space<hbm>> -> memref<64x128xf32, #tpu.memory_space<hbm>>
    %dma_start3A_223 = arith.constant 0 : i32
    %dma_start3A_224 = tpu.memref_slice %arg4[%dma_start3A_219, %add3A_218, %dma_start3A_223] : memref<50x4096x128xf32, #tpu.memory_space<hbm>> -> memref<1x64x128xf32, #tpu.memory_space<hbm>>
    %dma_start3A_225 = tpu.memref_squeeze %dma_start3A_224 : memref<1x64x128xf32, #tpu.memory_space<hbm>> -> memref<64x128xf32, #tpu.memory_space<hbm>>
    tpu.enqueue_dma source(%arg9 : memref<64x128xf32, #tpu.memory_space<vmem>>) target(%dma_start3A_225 : memref<64x128xf32, #tpu.memory_space<hbm>>) target_semaphore(%arg17 : memref<!tpu.dma_semaphore, #tpu.memory_space<semaphore_mem>>)
    %add3A_226 = arith.constant 0 : i32
    %add3A_227 = arith.addi %mul3A_2, %add3A_226 : i32
    %dma_wait3A_228 = arith.constant 48 : i32
    %dma_wait3A_229 = arith.constant 0 : i32
    %dma_wait3A_230 = tpu.memref_slice %arg4[%dma_wait3A_228, %add3A_227, %dma_wait3A_229] : memref<50x4096x128xf32, #tpu.memory_space<hbm>> -> memref<1x64x128xf32, #tpu.memory_space<hbm>>
    %dma_wait3A_231 = tpu.memref_squeeze %dma_wait3A_230 : memref<1x64x128xf32, #tpu.memory_space<hbm>> -> memref<64x128xf32, #tpu.memory_space<hbm>>
    %dma_wait3A_232 = arith.constant 0 : i32
    %dma_wait3A_233 = tpu.memref_slice %arg4[%dma_wait3A_228, %add3A_227, %dma_wait3A_232] : memref<50x4096x128xf32, #tpu.memory_space<hbm>> -> memref<1x64x128xf32, #tpu.memory_space<hbm>>
    %dma_wait3A_234 = tpu.memref_squeeze %dma_wait3A_233 : memref<1x64x128xf32, #tpu.memory_space<hbm>> -> memref<64x128xf32, #tpu.memory_space<hbm>>
    tpu.wait_dma2 semaphore(%arg14 : memref<!tpu.dma_semaphore, #tpu.memory_space<semaphore_mem>>) src(%arg6 : memref<64x128xf32, #tpu.memory_space<vmem>>) dst(%dma_wait3A_234 : memref<64x128xf32, #tpu.memory_space<hbm>>)
    %add3A_235 = arith.constant 64 : i32
    %add3A_236 = arith.addi %mul3A_2, %add3A_235 : i32
    %dma_wait3A_237 = arith.constant 48 : i32
    %dma_wait3A_238 = arith.constant 0 : i32
    %dma_wait3A_239 = tpu.memref_slice %arg4[%dma_wait3A_237, %add3A_236, %dma_wait3A_238] : memref<50x4096x128xf32, #tpu.memory_space<hbm>> -> memref<1x64x128xf32, #tpu.memory_space<hbm>>
    %dma_wait3A_240 = tpu.memref_squeeze %dma_wait3A_239 : memref<1x64x128xf32, #tpu.memory_space<hbm>> -> memref<64x128xf32, #tpu.memory_space<hbm>>
    %dma_wait3A_241 = arith.constant 0 : i32
    %dma_wait3A_242 = tpu.memref_slice %arg4[%dma_wait3A_237, %add3A_236, %dma_wait3A_241] : memref<50x4096x128xf32, #tpu.memory_space<hbm>> -> memref<1x64x128xf32, #tpu.memory_space<hbm>>
    %dma_wait3A_243 = tpu.memref_squeeze %dma_wait3A_242 : memref<1x64x128xf32, #tpu.memory_space<hbm>> -> memref<64x128xf32, #tpu.memory_space<hbm>>
    tpu.wait_dma2 semaphore(%arg15 : memref<!tpu.dma_semaphore, #tpu.memory_space<semaphore_mem>>) src(%arg7 : memref<64x128xf32, #tpu.memory_space<vmem>>) dst(%dma_wait3A_243 : memref<64x128xf32, #tpu.memory_space<hbm>>)
    %add3A_244 = arith.constant 0 : i32
    %add3A_245 = arith.addi %mul3A_2, %add3A_244 : i32
    %dma_wait3A_246 = arith.constant 49 : i32
    %dma_wait3A_247 = arith.constant 0 : i32
    %dma_wait3A_248 = tpu.memref_slice %arg4[%dma_wait3A_246, %add3A_245, %dma_wait3A_247] : memref<50x4096x128xf32, #tpu.memory_space<hbm>> -> memref<1x64x128xf32, #tpu.memory_space<hbm>>
    %dma_wait3A_249 = tpu.memref_squeeze %dma_wait3A_248 : memref<1x64x128xf32, #tpu.memory_space<hbm>> -> memref<64x128xf32, #tpu.memory_space<hbm>>
    %dma_wait3A_250 = arith.constant 0 : i32
    %dma_wait3A_251 = tpu.memref_slice %arg4[%dma_wait3A_246, %add3A_245, %dma_wait3A_250] : memref<50x4096x128xf32, #tpu.memory_space<hbm>> -> memref<1x64x128xf32, #tpu.memory_space<hbm>>
    %dma_wait3A_252 = tpu.memref_squeeze %dma_wait3A_251 : memref<1x64x128xf32, #tpu.memory_space<hbm>> -> memref<64x128xf32, #tpu.memory_space<hbm>>
    tpu.wait_dma2 semaphore(%arg16 : memref<!tpu.dma_semaphore, #tpu.memory_space<semaphore_mem>>) src(%arg8 : memref<64x128xf32, #tpu.memory_space<vmem>>) dst(%dma_wait3A_252 : memref<64x128xf32, #tpu.memory_space<hbm>>)
    %add3A_253 = arith.constant 64 : i32
    %add3A_254 = arith.addi %mul3A_2, %add3A_253 : i32
    %dma_wait3A_255 = arith.constant 49 : i32
    %dma_wait3A_256 = arith.constant 0 : i32
    %dma_wait3A_257 = tpu.memref_slice %arg4[%dma_wait3A_255, %add3A_254, %dma_wait3A_256] : memref<50x4096x128xf32, #tpu.memory_space<hbm>> -> memref<1x64x128xf32, #tpu.memory_space<hbm>>
    %dma_wait3A_258 = tpu.memref_squeeze %dma_wait3A_257 : memref<1x64x128xf32, #tpu.memory_space<hbm>> -> memref<64x128xf32, #tpu.memory_space<hbm>>
    %dma_wait3A_259 = arith.constant 0 : i32
    %dma_wait3A_260 = tpu.memref_slice %arg4[%dma_wait3A_255, %add3A_254, %dma_wait3A_259] : memref<50x4096x128xf32, #tpu.memory_space<hbm>> -> memref<1x64x128xf32, #tpu.memory_space<hbm>>
    %dma_wait3A_261 = tpu.memref_squeeze %dma_wait3A_260 : memref<1x64x128xf32, #tpu.memory_space<hbm>> -> memref<64x128xf32, #tpu.memory_space<hbm>>
    tpu.wait_dma2 semaphore(%arg17 : memref<!tpu.dma_semaphore, #tpu.memory_space<semaphore_mem>>) src(%arg9 : memref<64x128xf32, #tpu.memory_space<vmem>>) dst(%dma_wait3A_261 : memref<64x128xf32, #tpu.memory_space<hbm>>)
    return
  }
}

</mosaic_0001>

<sc_bundles>
// kernel: kernel.3.cloned.1.call-start
scs
__scs_entry_jumppad:
0x0: {  	(pc) =	sbr.rel $0x88, $3  }
0x1: {  	(tag) =	ssettag $0x0;
	lr =	simm.s32 $0x1  }
0x2: {  	[smem:$0x3F9F] =	sst lr;
	_ =	strace $0xD0000000  }
0x3: {  	_ = 	snop  }
0x4: {  	_ = 	snop  }
0x5: {  	_ = 	snop  }
0x6: {  	_ = 	snop  }
0x7: {  	_ = 	snop  }
__scs_overlays_trampoline_lowered:
0x8: {  	[smem:$0x3FAE] =	sst s0  }
0x9: {  	[smem:$0x3FAF] =	sst s1  }
0xa: {  	[smem:$0x3FB0] =	sst s2  }
0xb: {  	[smem:$0x3FB1] =	sst s3  }
0xc: {  	[smem:$0x3FB2] =	sst s4  }
0xd: {  	[smem:$0x3FB3] =	sst s5  }
0xe: {  	[smem:$0x3FB4] =	sst s6  }
0xf: {  	[smem:$0x3FB5] =	sst s7  }
0x10: {  	[smem:$0x3FB6] =	sst s8  }
0x11: {  	[smem:$0x3FB7] =	sst s9;
	s0 =	simm.s32 @!p0 $0x0  }
0x12: {  	s1 =	sld [smem:$0x3F9D];
	s0 =	simm.s32 @p0 $0x1  }
0x13: {  	[smem:$0x3FB8] =	sst s0;
	s0 =	simm.s32 @!p1 $0x0  }
0x14: {  	s2 =	sld [smem:$0x3F9C];
	s0 =	simm.s32 @p1 $0x1  }
0x15: {  	[smem:$0x3FB9] =	sst s0;
	s0 =	simm.s32 @!p2 $0x0  }
0x16: {  	s3 =	sld [smem:$0x3FDB];
	s0 =	simm.s32 @p2 $0x1  }
0x17: {  	s4 =	simm.s32 $0x1BF5;
	[smem:$0x3FBB] =	sst s0  }
0x18: {  	s0 =	sld [smem:$0x3F9E];
	_ =	swait.ge [sflag:s4], $0x0  }
0x19: {  	s7 =	sld [smem:$0x3F9F]  }
0x1a: {  	s8 =	sadd.s32 $0xFFFFE003, lr  }
0x1b: {  	s9 =	sadd.s32 $0xFFFFFEF7, lr;
	s5 =	simm.s32 $0xFFFFFFFF;
	p2 =	slt.u32 s8, $0xFFFFF086  }
0x1c: {  	p1 =	slt.u32 s9, $0xF7A;
	s5 =	simm.s32 @!p2 $0x0  }
0x1d: {  	s5 =	simm.s32 @p1 $0x1;
	p0 =	seq.s32 s7, s2  }
0x1e: {  	s7 =	smul.u32 @!p0 $0xF7A, s2;
	p2 =	seq.s32 @!p0 s5, $0x0  }
0x1f: {  	s9 =	smul.u32 $0xF7A, s1;
	s8 =	simm.s32 @!p0 $0x1BF5;
	p2 =	por !p2, p0  }
0x20: {  	[sflag:s8] =	ssyncset.s32 @!p0 $0xFFFFF086;
	s6 =	sadd.s32 @!p0 s3, s7;
	s7 =	simm.s32 @!p0 $0x108  }
0x21: {  	s3 =	sadd.s32 s3, s9;
	s6 =	sadd.s32 @!p0 $0x88, s6;
	s7 =	simm.s32 @p2 $0x1082  }
0x22: {  	[simem:s7], [sflag:s8] =	dma.local @!p0 [hbm:s6], $0xF7A  }
0x23: {  	s9 =	sor.u32 $0xD0000000, s2;
	s6 =	simm.s32 $0x108;
	_ =	swait.ge @!p0 [sflag:s8], $0x0  }
0x24: {  	s3 =	sadd.s32 $0x88, s3;
	s6 =	simm.s32 @!p1 $0x1082;
	[sflag:s4] =	ssyncset.s32 $0xFFFFF086  }
0x25: {  	[simem:s6], [sflag:s4] =	dma.local [hbm:s3], $0xF7A  }
0x26: {  	[smem:$0x3F9F] =	sst s1;
	(tag) =	ssettag s2;
	_ =	strace s9  }
0x27: {  	s1 =	sld [smem:$0x3FAF]  }
0x28: {  	s2 =	sld [smem:$0x3FB0]  }
0x29: {  	s4 =	sld [smem:$0x3FB2]  }
0x2a: {  	p0 =	seq.s32 s5, $0x0;
	s5 =	sld [smem:$0x3FB3]  }
0x2b: {  	s6 =	sld [smem:$0x3FB4]  }
0x2c: {  	s7 =	sld [smem:$0x3FB5]  }
0x2d: {  	s3 =	simm.s32 $0x108;
	s8 =	sld [smem:$0x3FB6]  }
0x2e: {  	s3 =	simm.s32 @!p0 $0x1082;
	s9 =	sld [smem:$0x3FB7]  }
0x2f: {  	lr =	sadd.s32 s0, s3;
	s0 =	sld [smem:$0x3FAE]  }
0x30: {  	s3 =	sld [smem:$0x3FB1]  }
0x31: {  	[smem:$0x3FBA] =	sst s10  }
0x32: {  	s10 =	sld [smem:$0x3FB8];
	_ =	sdelay $0x3  }
0x33: {  	p0 =	seq.s32 s10, $0x1;
	s10 =	sld [smem:$0x3FBA];
	_ =	sdelay $0x3  }
0x34: {  	[smem:$0x3FBA] =	sst s10  }
0x35: {  	s10 =	sld [smem:$0x3FB9];
	_ =	sdelay $0x3  }
0x36: {  	p1 =	seq.s32 s10, $0x1;
	s10 =	sld [smem:$0x3FBA];
	_ =	sdelay $0x3  }
0x37: {  	[smem:$0x3FBA] =	sst s10  }
0x38: {  	s10 =	sld [smem:$0x3FBB]  }
0x39: {  	_ = 	snop;
	(pc) =	sbr.ind lr, $3  }
0x3a: {  	_ = 	snop  }
0x3b: {  	_ = 	snop  }
0x3c: {  	p2 =	seq.s32 s10, $0x1;
	s10 =	sld [smem:$0x3FBA]  }
0x3d: {  	_ =	shalt  }
0x3e: {  	_ =	shalt  }
0x3f: {  	_ =	shalt  }
0x40: {  	_ =	shalt  }
0x41: {  	_ =	shalt  }
0x42: {  	_ =	shalt  }
0x43: {  	_ =	shalt  }
0x44: {  	_ =	shalt  }
0x45: {  	_ =	shalt  }
0x46: {  	_ =	shalt  }
0x47: {  	_ =	shalt  }
0x48: {  	_ =	shalt  }
0x49: {  	_ =	shalt  }
0x4a: {  	_ =	shalt  }
0x4b: {  	_ =	shalt  }
0x4c: {  	_ =	shalt  }
0x4d: {  	_ =	shalt  }
0x4e: {  	_ =	shalt  }
0x4f: {  	_ =	shalt  }
0x50: {  	_ =	shalt  }
0x51: {  	_ =	shalt  }
0x52: {  	_ =	shalt  }
0x53: {  	_ =	shalt  }
0x54: {  	_ =	shalt  }
0x55: {  	_ =	shalt  }
0x56: {  	_ =	shalt  }
0x57: {  	_ =	shalt  }
0x58: {  	_ =	shalt  }
0x59: {  	_ =	shalt  }
0x5a: {  	_ =	shalt  }
0x5b: {  	_ =	shalt  }
0x5c: {  	_ =	shalt  }
0x5d: {  	_ =	shalt  }
0x5e: {  	_ =	shalt  }
0x5f: {  	_ =	shalt  }
0x60: {  	_ =	shalt  }
0x61: {  	_ =	shalt  }
0x62: {  	_ =	shalt  }
0x63: {  	_ =	shalt  }
0x64: {  	_ =	shalt  }
0x65: {  	_ =	shalt  }
0x66: {  	_ =	shalt  }
0x67: {  	_ =	shalt  }
0x68: {  	_ =	shalt  }
0x69: {  	_ =	shalt  }
0x6a: {  	_ =	shalt  }
0x6b: {  	_ =	shalt  }
0x6c: {  	_ =	shalt  }
0x6d: {  	_ =	shalt  }
0x6e: {  	_ =	shalt  }
0x6f: {  	_ =	shalt  }
0x70: {  	_ =	shalt  }
0x71: {  	_ =	shalt  }
0x72: {  	_ =	shalt  }
0x73: {  	_ =	shalt  }
0x74: {  	_ =	shalt  }
0x75: {  	_ =	shalt  }
0x76: {  	_ =	shalt  }
0x77: {  	_ =	shalt  }
0x78: {  	_ =	shalt  }
0x79: {  	_ =	shalt  }
0x7a: {  	_ =	shalt  }
0x7b: {  	_ =	shalt  }
0x7c: {  	_ =	shalt  }
0x7d: {  	_ =	shalt  }
0x7e: {  	_ =	shalt  }
0x7f: {  	_ =	shalt  }
0x80: {  	_ =	shalt  }
0x81: {  	_ =	shalt  }
0x82: {  	_ =	shalt  }
0x83: {  	_ =	shalt  }
0x84: {  	_ =	shalt  }
0x85: {  	_ =	shalt  }
0x86: {  	_ =	shalt  }
0x87: {  	_ =	shalt  }
.Lfunc_end0:
.L_simem_size_0:
called_computation_lowered:
.L_overlay_start_0:
0x88: {  	s2 =	sld [smem:$0x3FD9]  }
0x89: {  	s3 =	sld [smem:$0x3FFE];
	_ =	sdelay $0x1  }
0x8a: {  	s1 =	srdreg.scid  }
0x8b: {  	s0 =	sand.u32 $0x1, s1  }
0x8c: {  	s18 =	sshll.u32 s0, $0xA;
	s2 =	sadd.s32 s3, s2  }
0x8d: {  	s2 =	sadd.s32 s2, s18  }
0x8e: {  	[smem:$0x3FC6] =	sst s2  }
0x8f: {  	_ = 	snop  }
0x90: {  	s2 =	sld [smem:$0x3FC9]  }
0x91: {  	s19 =	sld [smem:$0x3FC8]  }
0x92: {  	s4 =	sld [smem:$0x3FD0];
	(tm) =	ssettm $0x1  }
0x93: {  	s5 =	sld [smem:$0x3FFB];
	_ =	sdelay $0x3  }
0x94: {  	_ =	strace s5  }
0x95: {  	s5 =	sld [smem:$0x3FFC];
	_ =	sdelay $0x3  }
0x96: {  	_ =	strace s5  }
0x97: {  	s5 =	sld [smem:$0x3FFD];
	_ =	sdelay $0x3  }
0x98: {  	_ =	strace s5  }
0x99: {  	_ =	strace $0x8FFFFFFF  }
0x9a: {  	s20 =	sld [smem:$0x3FDB];
	_ =	sdelay $0x1  }
0x9b: {  	s6 =	simm.s32 $_scs_section_size  }
0x9c: {  	s7 =	simm.s32 $_size__tile_overlayer_lowered;
	s8 =	simm.s32 $_tile_overlayer_lowered  }
0x9d: {  	s23 =	simm.s32 $0x1BFF;
	s22 =	sshll.u32 s8, $0x1;
	s5 =	sadd.s32 s6, s20  }
0x9e: {  	s9 =	simm.s32 $0x0;
	s21 =	sshll.u32 s7, $0x1;
	s7 =	sadd.s32 s22, s5  }
0x9f: {  	[timem:s9], [sflag:s23] =	dma.local [hbm:s7], s21  }
0xa0: {  	_ =	swait.ge [sflag:s23], s21  }
0xa1: {  	s6 =	ssub.s32 $0x0, s21;
	[sflag:s23] =	ssyncset.done $0x0  }
0xa2: {  	[sflag:s23] =	ssyncadd.s32 s6;
	_ =	sdelay $0x1  }
0xa3: {  	s24 =	simm.s32 $0x1B8B  }
0xa4: {  	_ =	swait.ge [sflag:s24], $0x1  }
0xa5: {  	[sflag:s24] =	ssyncset.done $0x0  }
0xa6: {  	s25 =	simm.s32 $0x1B8E;
	[sflag:s24] =	ssyncadd.s32 $0xFFFFFFFF  }
0xa7: {  	s26 =	simm.s32 $execute0_lowered;
	[smem:$0x3FD2] =	sst s25  }
0xa8: {  	s6 =	sshll.u32 s26, $0x1;
	_ =	strace $0x80000046;
	[dreg:$0x1] =	wrdreg $0xFFFFFFFF  }
0xa9: {  	s28 =	simm.s32 $_size_execute0_lowered;
	s5 =	sadd.s32 s5, s6;
	[dreg:$0x0] =	wrdreg $0x0  }
0xaa: {  	s6 =	sshll.u32 s28, $0x1;
	[dreg:$0x2] =	wrdreg s5  }
0xab: {  	[dreg:$0x3] =	wrdreg s6  }
0xac: {  	[dreg:$0x4] =	wrdreg $0xC0  }
0xad: {  	_ =	task [dreg:s9], $0x5FFFF  }
0xae: {  	[dreg:$0x1] =	wrdreg $0xFFFFFFFF  }
0xaf: {  	[dreg:$0x0] =	wrdreg $0x60  }
0xb0: {  	[dreg:$0x2] =	wrdreg s2  }
0xb1: {  	[dreg:$0x3] =	wrdreg s19  }
0xb2: {  	[dreg:$0x4] =	wrdreg s4  }
0xb3: {  	[dreg:$0x5] =	wrdreg $0x9  }
0xb4: {  	_ =	task.clear_ibuf [dreg:s9], $0x6FFFF;
	_ =	strace $0x90000046  }
0xb5: {  	s29 =	simm.s32 $0x9;
	_ =	strace $0x80000048  }
0xb6: {  	_ =	swait.ge [sflag:s29], $0x1  }
0xb7: {  	[sflag:s29] =	ssyncadd.s32 $0xFFFFFFFF  }
0xb8: {  	_ =	strace $0x90000048  }
0xb9: {  	_ =	sfence  }
0xba: {  	s30 =	sld [smem:$0x0];
	_ =	sdelay $0x2  }
0xbb: {  	s31 =	sshll.u32 s1, $0xD;
	s1 =	sshrl.u32 s1, $0x2  }
0xbc: {  	s3 =	sand.u32 $0x4000, s31;
	s1 =	sadd.s32 s1, s30  }
0xbd: {  	s0 =	sor.u32 s3, s0;
	s1 =	sshll.u32 s1, $0x11  }
0xbe: {  	s0 =	sor.u32 s1, s0  }
0xbf: {  	s0 =	sadd.s32 $0x8F2B, s0  }
0xc0: {  	[sflag:s0] =	ssyncadd.remote.s32 $0x1  }
0xc1: {  	_ =	sfence.sel $0xFFFF  }
0xc2: {  	[dreg:$0x0] =	wrdreg $0xFFFFFFFF;
	(pc) =	sbr.abs _section_cstart, $3  }
0xc3: {  	[dreg:$0x1] =	wrdreg $0xFFFFFFFF  }
0xc4: {  	_ =	task.clear_ibuf [dreg:s9], $0x2FFFF;
	_ =	strace $0x9FFFFFFF  }
0xc5: {  	(tm) =	ssettm $0x7FFFFFFF  }
tec
execute0_lowered:
.L_overlay_start_1:
0x0: {  	(tag) =	ssettag $0x1  }
0x1: {  	s0 =	rddreg [dreg:$0x0]  }
0x2: {  	s1 =	rddreg [dreg:$0x1]  }
0x3: {  	s2 =	rddreg [dreg:$0x2];
	s4 =	srdreg.scid  }
0x4: {  	s3 =	simm.s32 $0x0;
	s12 =	stileid.u32;
	s19 =	simm.s32 $0x9  }
0x5: {  	s20 =	simm.s32 $0x40;
	s28 =	simm.s32 $0x1;
	s29 =	simm.s32 $0x2  }
0x6: {  	s30 =	simm.s32 $0x3;
	s31 =	simm.s32 $0x5;
	s16 =	simm.s32 $0x6  }
0x7: {  	s18 =	simm.s32 $0x7;
	s17 =	simm.s32 $0x0;
	s5 =	sand.u32 $0x1, s4  }
0x8: {  	[smem:$0x7FF] =	sst s3;
	s21 =	sshll.u32 s12, $0x8;
	s25 =	sshll.u32 s12, $0xC  }
0x9: {  	s6 =	sshll.u32 s5, $0x7;
	_ =	strace $0x80000047;
	s7 =	ssub.s32 $0x2, s5  }
0xa: {  	s26 =	sshll.u32 s5, $0xB;
	s6 =	sor.u32 s6, s21;
	s8 =	sshrl.u32 s7, $0x1  }
0xb: {  	s21 =	simm.s32 $0x1C00;
	s4 =	sadd.s32 s0, s6;
	s22 =	sshll.u32 s6, $0x4  }
0xc: {  	s14 =	ssub.s32 s7, s8;
	s23 =	sadd.s32 $0x6000, s4;
	s6 =	sadd.s32 s2, s22  }
0xd: {  	s14 =	smax.u32 s14, $0x1;
	s22 =	simm.s32 $0x3C00;
	[dreg:$0x4] =	wrdreg s23  }
0xe: {  	s0 =	sadd.s32 $0x400, s6;
	s24 =	sadd.s32 $0x10000, s6;
	s9 =	sadd.s32 $0x10400, s6  }
0xf: {  	s10 =	sadd.s32 $0x300000, s6;
	s11 =	sadd.s32 $0x300400, s6;
	s12 =	sadd.s32 $0x310000, s6  }
0x10: {  	s13 =	sadd.s32 $0x310400, s6;
	s23 =	simm.s32 $0x8;
	[dreg:$0x5] =	wrdreg s0  }
0x11: {  	[dreg:$0x6] =	wrdreg s24;
	s0 =	sadd.s32 s25, s2;
	s24 =	simm.s32 $0x5C00  }
0x12: {  	s2 =	simm.s32 $0x4;
	s15 =	sadd.s32 s26, s0;
	s26 =	simm.s32 $0x7C00  }
.LBB2_1:
0x13: {  	s0 =	simm.s32 $0x400;
	s5 =	simm.s32 $0x8000  }
0x14: {  	[tilespmem:s3], [sflag:$0x9] =	stream.strided.gather [hbm4b:s4+s0], $0x1800, s5, s0, $0x38;
	[tilespmem:$0x9C00] =	vst v63  }
0x15: {  	s7 =	rddreg [dreg:$0x4];
	s8 =	simm.s32 $0x1800  }
0x16: {  	[tilespmem:s8], [sflag:$0x9] =	stream.linear.gather [hbm4b:s7+s3], $0x100, $0x38;
	[tilespmem:$0x9C00] =	vst v63  }
0x17: {  	_ =	swait.ge [sflag:s19], $0x1900  }
0x18: {  	[sflag:s19] =	ssyncset.done $0x0  }
0x19: {  	[sflag:s19] =	ssyncadd.s32 $0xFFFFE700  }
0x1a: {  	[tilespmem:s21], [sflag:$0x1] =	stream.indirect.gather [hbm4b:s1+s20], $0x80, s3, s20, $0xb8;
	[tilespmem:$0x9C00] =	vst v63  }
0x1b: {  	_ = 	snop  }
0x1c: {  	[tilespmem:s22], [sflag:$0x2] =	stream.indirect.gather [hbm4b:s1+s20], $0x80, s20, s20, $0xb8;
	[tilespmem:$0x9C00] =	vst v63  }
0x1d: {  	s25 =	simm.s32 $0x80  }
0x1e: {  	[tilespmem:s24], [sflag:$0x3] =	stream.indirect.gather [hbm4b:s1+s20], $0x80, s25, s20, $0xb8;
	[tilespmem:$0x9C00] =	vst v63  }
0x1f: {  	s5 =	simm.s32 $0xC0  }
0x20: {  	[tilespmem:s26], [sflag:$0x4] =	stream.indirect.gather [hbm4b:s1+s20], $0x80, s5, s20, $0xb8;
	[tilespmem:$0x9C00] =	vst v63  }
0x21: {  	_ =	swait.ge [sflag:s28], $0x2000  }
0x22: {  	[sflag:s28] =	ssyncset.done $0x0  }
0x23: {  	[sflag:s28] =	ssyncadd.s32 $0xFFFFE000  }
0x24: {  	[hbm4b:s6+s3] =	stream.linear.scatter [tilespmem:s21], [sflag:$0x5], $0x2000, $0x38;
	[tilespmem:$0x9C00] =	vst v63  }
0x25: {  	_ =	swait.ge [sflag:s29], $0x2000  }
0x26: {  	[sflag:s29] =	ssyncset.done $0x0  }
0x27: {  	s7 =	rddreg [dreg:$0x5];
	[sflag:s29] =	ssyncadd.s32 $0xFFFFE000  }
0x28: {  	[hbm4b:s7+s3] =	stream.linear.scatter [tilespmem:s22], [sflag:$0x6], $0x2000, $0x38;
	[tilespmem:$0x9C00] =	vst v63  }
0x29: {  	_ =	swait.ge [sflag:s30], $0x2000  }
0x2a: {  	[sflag:s30] =	ssyncset.done $0x0  }
0x2b: {  	s8 =	rddreg [dreg:$0x6];
	[sflag:s30] =	ssyncadd.s32 $0xFFFFE000  }
0x2c: {  	[hbm4b:s8+s3] =	stream.linear.scatter [tilespmem:s24], [sflag:$0x7], $0x2000, $0x38;
	[tilespmem:$0x9C00] =	vst v63  }
0x2d: {  	_ =	swait.ge [sflag:s31], $0x2000  }
0x2e: {  	[sflag:s31] =	ssyncset.done $0x0  }
0x2f: {  	s25 =	simm.s32 $0x100;
	[sflag:s31] =	ssyncadd.s32 $0xFFFFE000  }
0x30: {  	[tilespmem:s21], [sflag:$0x1] =	stream.indirect.gather [hbm4b:s1+s20], $0x80, s25, s20, $0xb8;
	[tilespmem:$0x9C00] =	vst v63  }
0x31: {  	_ =	swait.ge [sflag:s2], $0x2000  }
0x32: {  	[sflag:s2] =	ssyncset.done $0x0  }
0x33: {  	[sflag:s2] =	ssyncadd.s32 $0xFFFFE000  }
0x34: {  	[hbm4b:s9+s3] =	stream.linear.scatter [tilespmem:s26], [sflag:$0x8], $0x2000, $0x38;
	[tilespmem:$0x9C00] =	vst v63  }
0x35: {  	_ =	swait.ge [sflag:s16], $0x2000  }
0x36: {  	[sflag:s16] =	ssyncset.done $0x0  }
0x37: {  	s5 =	simm.s32 $0x140;
	[sflag:s16] =	ssyncadd.s32 $0xFFFFE000  }
0x38: {  	[tilespmem:s22], [sflag:$0x2] =	stream.indirect.gather [hbm4b:s1+s20], $0x80, s5, s20, $0xb8;
	[tilespmem:$0x9C00] =	vst v63  }
0x39: {  	_ =	swait.ge [sflag:s28], $0x2000  }
0x3a: {  	s0 =	sadd.s32 $0x0, s15;
	[sflag:s28] =	ssyncset.done $0x0  }
0x3b: {  	s7 =	sadd.s32 $0x20000, s0;
	[sflag:s28] =	ssyncadd.s32 $0xFFFFE000  }
0x3c: {  	[hbm4b:s7+s3] =	stream.linear.scatter [tilespmem:s21], [sflag:$0x5], $0x2000, $0x38;
	[tilespmem:$0x9C00] =	vst v63  }
0x3d: {  	_ =	swait.ge [sflag:s18], $0x2000  }
0x3e: {  	[sflag:s18] =	ssyncset.done $0x0  }
0x3f: {  	s8 =	simm.s32 $0x180;
	[sflag:s18] =	ssyncadd.s32 $0xFFFFE000  }
0x40: {  	[tilespmem:s24], [sflag:$0x3] =	stream.indirect.gather [hbm4b:s1+s20], $0x80, s8, s20, $0xb8;
	[tilespmem:$0x9C00] =	vst v63  }
0x41: {  	_ =	swait.ge [sflag:s29], $0x2000  }
0x42: {  	[sflag:s29] =	ssyncset.done $0x0  }
0x43: {  	s25 =	sadd.s32 $0x20400, s0;
	[sflag:s29] =	ssyncadd.s32 $0xFFFFE000  }
0x44: {  	[hbm4b:s25+s3] =	stream.linear.scatter [tilespmem:s22], [sflag:$0x6], $0x2000, $0x38;
	[tilespmem:$0x9C00] =	vst v63  }
0x45: {  	_ =	swait.ge [sflag:s23], $0x2000  }
0x46: {  	[sflag:s23] =	ssyncset.done $0x0  }
0x47: {  	s7 =	simm.s32 $0x1C0;
	[sflag:s23] =	ssyncadd.s32 $0xFFFFE000  }
0x48: {  	[tilespmem:s26], [sflag:$0x4] =	stream.indirect.gather [hbm4b:s1+s20], $0x80, s7, s20, $0xb8;
	[tilespmem:$0x9C00] =	vst v63  }
0x49: {  	_ =	swait.ge [sflag:s30], $0x2000  }
0x4a: {  	[sflag:s30] =	ssyncset.done $0x0  }
0x4b: {  	s8 =	sadd.s32 $0x30000, s0;
	[sflag:s30] =	ssyncadd.s32 $0xFFFFE000  }
0x4c: {  	[hbm4b:s8+s3] =	stream.linear.scatter [tilespmem:s24], [sflag:$0x7], $0x2000, $0x38;
	[tilespmem:$0x9C00] =	vst v63  }
0x4d: {  	_ =	swait.ge [sflag:s31], $0x2000  }
0x4e: {  	[sflag:s31] =	ssyncset.done $0x0  }
0x4f: {  	s25 =	simm.s32 $0x200;
	[sflag:s31] =	ssyncadd.s32 $0xFFFFE000  }
0x50: {  	[tilespmem:s21], [sflag:$0x1] =	stream.indirect.gather [hbm4b:s1+s20], $0x80, s25, s20, $0xb8;
	[tilespmem:$0x9C00] =	vst v63  }
0x51: {  	_ =	swait.ge [sflag:s2], $0x2000  }
0x52: {  	[sflag:s2] =	ssyncset.done $0x0  }
0x53: {  	s0 =	sadd.s32 $0x30400, s0;
	[sflag:s2] =	ssyncadd.s32 $0xFFFFE000  }
0x54: {  	[hbm4b:s0+s3] =	stream.linear.scatter [tilespmem:s26], [sflag:$0x8], $0x2000, $0x38;
	[tilespmem:$0x9C00] =	vst v63  }
0x55: {  	_ =	swait.ge [sflag:s16], $0x2000  }
0x56: {  	s5 =	simm.s32 $0x340;
	[sflag:s16] =	ssyncset.done $0x0  }
0x57: {  	s25 =	simm.s32 $0x240;
	s0 =	simm.s32 $0x20000;
	[sflag:s16] =	ssyncadd.s32 $0xFFFFE000  }
.LBB2_2:
0x58: {  	[tilespmem:s22], [sflag:$0x2] =	stream.indirect.gather [hbm4b:s1+s20], $0x80, s25, s20, $0xb8;
	[tilespmem:$0x9C00] =	vst v63  }
0x59: {  	s7 =	smov.u32 s0;
	s25 =	smov.u32 s5  }
0x5a: {  	p0 =	sne.s32 s0, $0x2C0000;
	s0 =	sadd.s32 $0x20000, s0;
	_ =	swait.ge [sflag:s28], $0x2000  }
0x5b: {  	s7 =	sadd.s32 s7, s15;
	[sflag:s28] =	ssyncset.done $0x0  }
0x5c: {  	s8 =	sadd.s32 $0x20000, s7;
	[sflag:s28] =	ssyncadd.s32 $0xFFFFE000  }
0x5d: {  	[hbm4b:s8+s3] =	stream.linear.scatter [tilespmem:s21], [sflag:$0x5], $0x2000, $0x38;
	[tilespmem:$0x9C00] =	vst v63  }
0x5e: {  	_ =	swait.ge [sflag:s18], $0x2000  }
0x5f: {  	[sflag:s18] =	ssyncset.done $0x0  }
0x60: {  	s8 =	sadd.s32 $0xFFFFFF40, s5;
	[sflag:s18] =	ssyncadd.s32 $0xFFFFE000  }
0x61: {  	[tilespmem:s24], [sflag:$0x3] =	stream.indirect.gather [hbm4b:s1+s20], $0x80, s8, s20, $0xb8;
	[tilespmem:$0x9C00] =	vst v63  }
0x62: {  	_ =	swait.ge [sflag:s29], $0x2000  }
0x63: {  	[sflag:s29] =	ssyncset.done $0x0  }
0x64: {  	s8 =	sadd.s32 $0x20400, s7;
	[sflag:s29] =	ssyncadd.s32 $0xFFFFE000  }
0x65: {  	[hbm4b:s8+s3] =	stream.linear.scatter [tilespmem:s22], [sflag:$0x6], $0x2000, $0x38;
	[tilespmem:$0x9C00] =	vst v63  }
0x66: {  	_ =	swait.ge [sflag:s23], $0x2000  }
0x67: {  	[sflag:s23] =	ssyncset.done $0x0  }
0x68: {  	s8 =	sadd.s32 $0xFFFFFF80, s5;
	[sflag:s23] =	ssyncadd.s32 $0xFFFFE000  }
0x69: {  	[tilespmem:s26], [sflag:$0x4] =	stream.indirect.gather [hbm4b:s1+s20], $0x80, s8, s20, $0xb8;
	[tilespmem:$0x9C00] =	vst v63  }
0x6a: {  	_ =	swait.ge [sflag:s30], $0x2000  }
0x6b: {  	[sflag:s30] =	ssyncset.done $0x0  }
0x6c: {  	s8 =	sadd.s32 $0x30000, s7;
	[sflag:s30] =	ssyncadd.s32 $0xFFFFE000  }
0x6d: {  	[hbm4b:s8+s3] =	stream.linear.scatter [tilespmem:s24], [sflag:$0x7], $0x2000, $0x38;
	[tilespmem:$0x9C00] =	vst v63  }
0x6e: {  	_ =	swait.ge [sflag:s31], $0x2000  }
0x6f: {  	[sflag:s31] =	ssyncset.done $0x0  }
0x70: {  	s8 =	sadd.s32 $0xFFFFFFC0, s5;
	[sflag:s31] =	ssyncadd.s32 $0xFFFFE000  }
0x71: {  	[tilespmem:s21], [sflag:$0x1] =	stream.indirect.gather [hbm4b:s1+s20], $0x80, s8, s20, $0xb8;
	[tilespmem:$0x9C00] =	vst v63  }
0x72: {  	_ =	swait.ge [sflag:s2], $0x2000  }
0x73: {  	[sflag:s2] =	ssyncset.done $0x0  }
.Ltmp0:
0x74: {  	s7 =	sadd.s32 $0x30400, s7;
	[sflag:s2] =	ssyncadd.s32 $0xFFFFE000;
	(pc) =	sbr.rel @p0 .LBB2_2-.Ltmp0, $4  }
0x75: {  	[hbm4b:s7+s3] =	stream.linear.scatter [tilespmem:s26], [sflag:$0x8], $0x2000, $0x38;
	[tilespmem:$0x9C00] =	vst v63  }
0x76: {  	_ =	swait.ge [sflag:s16], $0x2000  }
0x77: {  	[sflag:s16] =	ssyncset.done $0x0  }
0x78: {  	s5 =	sadd.s32 $0x100, s5;
	[sflag:s16] =	ssyncadd.s32 $0xFFFFE000  }
0x79: {  	[tilespmem:s22], [sflag:$0x2] =	stream.indirect.gather [hbm4b:s1+s20], $0x80, s25, s20, $0xb8;
	[tilespmem:$0x9C00] =	vst v63  }
0x7a: {  	_ =	swait.ge [sflag:s28], $0x2000  }
0x7b: {  	[sflag:s28] =	ssyncset.done $0x0  }
0x7c: {  	[sflag:s28] =	ssyncadd.s32 $0xFFFFE000  }
0x7d: {  	[hbm4b:s10+s3] =	stream.linear.scatter [tilespmem:s21], [sflag:$0x5], $0x2000, $0x38;
	[tilespmem:$0x9C00] =	vst v63  }
0x7e: {  	_ =	swait.ge [sflag:s18], $0x2000  }
0x7f: {  	[sflag:s18] =	ssyncset.done $0x0  }
0x80: {  	s0 =	simm.s32 $0x1880;
	[sflag:s18] =	ssyncadd.s32 $0xFFFFE000  }
0x81: {  	[tilespmem:s24], [sflag:$0x3] =	stream.indirect.gather [hbm4b:s1+s20], $0x80, s0, s20, $0xb8;
	[tilespmem:$0x9C00] =	vst v63  }
0x82: {  	_ =	swait.ge [sflag:s29], $0x2000  }
0x83: {  	[sflag:s29] =	ssyncset.done $0x0  }
0x84: {  	[sflag:s29] =	ssyncadd.s32 $0xFFFFE000  }
0x85: {  	[hbm4b:s11+s3] =	stream.linear.scatter [tilespmem:s22], [sflag:$0x6], $0x2000, $0x38;
	[tilespmem:$0x9C00] =	vst v63  }
0x86: {  	_ =	swait.ge [sflag:s23], $0x2000  }
0x87: {  	[sflag:s23] =	ssyncset.done $0x0  }
0x88: {  	s25 =	simm.s32 $0x18C0;
	[sflag:s23] =	ssyncadd.s32 $0xFFFFE000  }
0x89: {  	[tilespmem:s26], [sflag:$0x4] =	stream.indirect.gather [hbm4b:s1+s20], $0x80, s25, s20, $0xb8;
	[tilespmem:$0x9C00] =	vst v63  }
0x8a: {  	_ =	swait.ge [sflag:s30], $0x2000  }
0x8b: {  	[sflag:s30] =	ssyncset.done $0x0  }
0x8c: {  	[sflag:s30] =	ssyncadd.s32 $0xFFFFE000  }
0x8d: {  	[hbm4b:s12+s3] =	stream.linear.scatter [tilespmem:s24], [sflag:$0x7], $0x2000, $0x38;
	[tilespmem:$0x9C00] =	vst v63  }
0x8e: {  	_ =	swait.ge [sflag:s2], $0x2000  }
0x8f: {  	[sflag:s2] =	ssyncset.done $0x0  }
0x90: {  	[sflag:s2] =	ssyncadd.s32 $0xFFFFE000  }
0x91: {  	[hbm4b:s13+s3] =	stream.linear.scatter [tilespmem:s26], [sflag:$0x8], $0x2000, $0x38;
	[tilespmem:$0x9C00] =	vst v63  }
0x92: {  	_ =	swait.ge [sflag:s31], $0x2000  }
0x93: {  	[sflag:s31] =	ssyncset.done $0x0  }
0x94: {  	[sflag:s31] =	ssyncadd.s32 $0xFFFFE000  }
0x95: {  	_ =	swait.ge [sflag:s16], $0x2000  }
0x96: {  	[sflag:s16] =	ssyncset.done $0x0  }
0x97: {  	s17 =	sadd.s32 $0x1, s17;
	[sflag:s16] =	ssyncadd.s32 $0xFFFFE000  }
0x98: {  	p0 =	sne.s32 s17, s14;
	_ =	swait.ge [sflag:s18], $0x2000  }
.Ltmp1:
0x99: {  	[sflag:s18] =	ssyncset.done $0x0;
	(pc) =	sbr.rel @p0 .LBB2_1-.Ltmp1, $4  }
0x9a: {  	[sflag:s18] =	ssyncadd.s32 $0xFFFFE000  }
0x9b: {  	_ =	swait.ge [sflag:s23], $0x2000  }
0x9c: {  	[sflag:s23] =	ssyncset.done $0x0  }
0x9d: {  	[sflag:s23] =	ssyncadd.s32 $0xFFFFE000  }
0x9e: {  	_ =	sfence.sel $0x180000  }
0x9f: {  	[bflag:$0x0] =	sbarrier.arrive $0xFFFF  }
0xa0: {  	_ =	strace $0x90000047  }
0xa1: {  	s0 =	stileid.u32;
	[bflag:$0x2] =	sbarrier.arrive $0xFFFF  }
0xa2: {  	p0 =	sne.s32 s0, $0x0;
	s0 =	rddreg [dreg:$0x3]  }
0xa3: {  	s0 =	sadd.s32 @!p0 $0x100000, s0  }
0xa4: {  	[sflag:s0] =	ssyncadd.tile.s32 @!p0 $0x1;
	_ =	shalt  }
.Lfunc_end2:
_tile_overlayer_lowered:
.L_overlay_start_2:
0xa5: {  	(tag) =	ssettag $0x2  }
0xa6: {  	s0 =	rddreg [dreg:$0x0];
	s2 =	stileid.u32  }
0xa7: {  	s1 =	rddreg [dreg:$0x1];
	p0 =	sne.s32 s2, $0x0  }
0xa8: {  	s3 =	rddreg [dreg:$0x2];
	[bflag:$0x3] =	sbarrier.arrive $0xFFFF;
	s2 =	simm.s32 @!p0 $0x1C09  }
0xa9: {  	[timem:s3], [sflag:s2] =	dma.local @!p0 [hbm:s0], s1  }
0xaa: {  	s0 =	simm.s32 @!p0 $0x9  }
0xab: {  	_ =	swait.ge @!p0 [sflag:s0], s1  }
0xac: {  	s1 =	ssub.s32 @!p0 $0x0, s1;
	[sflag:s0] =	ssyncset.done @!p0 $0x0  }
0xad: {  	[sflag:s0] =	ssyncadd.s32 @!p0 s1  }
0xae: {  	[bflag:$0x3] =	sbarrier.arrive $0xFFFF  }
0xaf: {  	_ =	shalt  }

</sc_bundles>
